<compile_context>
chip_gen: v7x
topology: tpu7x:2x2x1
jax: 0.10.2.dev20260603
libtpu: 0.0.44.dev20260713+nightly
codegen_flags: <defaults>
</compile_context>

<pallas_src>
import jax
import jax.numpy as jnp
from jax import lax
from jax.experimental import pallas as pl
from jax.experimental.pallas import tpu as pltpu
from jax.experimental.pallas import tpu_sc as plsc

_PATCH = 11
_HALF = 5
_B, _N = 2, 1024
_H, _W = 1024, 1280
_K = 5
_INF = float(jnp.inf)

_NC, _NS, _L = 2, 16, 16
_NW = _NC * _NS
_KPW = (_B * _N) // _NW
_ROWS = _PATCH + 1
_GROWS = _ROWS * 2 * _KPW



def _sc_photo_body(tabl, tabr, kxh, kyh, dh, sh, out_hbm,
                   kx_v, ky_v, d_v, s_v,
                   fy_v, fxl_v, fxr_v, xbl_v, xbr_v, yb_v, mk_v,
                   gbl, gbr, outv, sem):
    wid = lax.axis_index("s") * _NC + lax.axis_index("c")
    base = wid * _KPW
    b = wid // (_NW // _B)

    pltpu.sync_copy(kxh.at[pl.ds(base, _KPW)], kx_v.at[pl.ds(0, _KPW)])
    pltpu.sync_copy(kyh.at[pl.ds(base, _KPW)], ky_v.at[pl.ds(0, _KPW)])
    pltpu.sync_copy(dh.at[pl.ds(base, _KPW)], d_v.at[pl.ds(0, _KPW)])
    pltpu.sync_copy(sh.at[pl.ds(base, _KPW)], s_v.at[pl.ds(0, _KPW)])

    iota16 = lax.iota(jnp.int32, _L)

    crow = (b * _H + jnp.minimum(iota16, _H - 1)) * (_W // 16)
    dma_l = pltpu.async_copy(tabl.at[crow], gbl, sem)
    dma_r = pltpu.async_copy(tabr.at[crow], gbr, sem)

    msum_vec = jnp.zeros((_L,), jnp.float32)
    for c in range(_KPW // _L):
        sl = pl.ds(c * _L, _L)
        kx = kx_v[sl]
        ky = ky_v[sl]
        dd = d_v[sl]
        ss = s_v[sl]

        yb_v[sl] = ky.astype(jnp.int32) - _HALF
        fy_v[sl] = ky - ky.astype(jnp.int32).astype(jnp.float32)

        xbl_v[sl] = kx.astype(jnp.int32) - _HALF
        fxl_v[sl] = kx - kx.astype(jnp.int32).astype(jnp.float32)

        xr = kx - dd
        fr = (xr + 1.0).astype(jnp.int32) - 1
        xbr_v[sl] = fr - _HALF
        fxr_v[sl] = xr - fr.astype(jnp.float32)

        mk = jnp.where(jnp.logical_and(ss > 0.1, dd > 0.1),
                       jnp.float32(1.0), jnp.float32(0.0))
        mk_v[sl] = mk
        msum_vec = msum_vec + mk

    dma_l.wait()
    dma_r.wait()

    def kp_body(k, tot):
        kvec = jnp.broadcast_to(k, (_L,))
        fy = plsc.load_gather(fy_v, [kvec])
        omfy = 1.0 - fy
        yb = plsc.load_gather(yb_v, [kvec])
        gys = [jnp.clip(yb + r, 0, _H - 1) for r in range(_ROWS)]

        def side_samples(gb, xb_v, fx_v):
            xb = plsc.load_gather(xb_v, [kvec])
            fx = plsc.load_gather(fx_v, [kvec])
            colg = jnp.clip(xb + iota16, 0, _W - 1)
            colg_s = jnp.clip(xb + iota16 + 1, 0, _W - 1)
            w = []
            ws = []
            for r in range(_ROWS):
                w.append(plsc.load_gather(gb, [gys[r], colg]))
                ws.append(plsc.load_gather(gb, [gys[r], colg_s]))
            omfx = 1.0 - fx
            out = []
            for r in range(_PATCH):
                a = omfy * w[r] + fy * w[r + 1]
                a_s = omfy * ws[r] + fy * ws[r + 1]
                out.append(omfx * a + fx * a_s)
            return out

        s_l = side_samples(gbl, xbl_v, fxl_v)
        s_r = side_samples(gbr, xbr_v, fxr_v)
        acc = jnp.abs(s_l[0] - s_r[0])
        for r in range(1, _PATCH):
            acc = acc + jnp.abs(s_l[r] - s_r[r])
        mk = plsc.load_gather(mk_v, [kvec])
        acc = jnp.where(iota16 < _PATCH, acc, 0.0) * mk
        return tot + acc

    tot = lax.fori_loop(0, _KPW, kp_body, jnp.zeros((_L,), jnp.float32))
    num = jnp.sum(tot) * jnp.float32(1.0 / (_PATCH * _PATCH))
    msum_p = jnp.sum(msum_vec)
    outv[...] = (jnp.where(iota16 == 0, num, 0.0)
                 + jnp.where(iota16 == 1, msum_p, 0.0))
    pltpu.sync_copy(outv, out_hbm.at[wid])


def _sc_photo(left_gray, right_gray, keypoints_left, disparity, scores_left):
    tabl = left_gray.reshape(-1, 16)
    tabr = right_gray.reshape(-1, 16)
    kxh = keypoints_left[..., 0].reshape(-1)
    kyh = keypoints_left[..., 1].reshape(-1)
    dh = disparity.reshape(-1)
    sh = scores_left.reshape(-1)

    mesh = plsc.VectorSubcoreMesh(core_axis_name="c", subcore_axis_name="s",
                                  num_cores=_NC, num_subcores=_NS)
    f = pl.kernel(
        _sc_photo_body,
        out_type=jax.ShapeDtypeStruct((_NW, _L), jnp.float32),
        mesh=mesh,
        compiler_params=pltpu.CompilerParams(needs_layout_passes=False,
                                             use_tc_tiling_on_sc=False),
        scratch_types=[
            pltpu.VMEM((128,), jnp.float32),
            pltpu.VMEM((128,), jnp.float32),
            pltpu.VMEM((128,), jnp.float32),
            pltpu.VMEM((128,), jnp.float32),
            pltpu.VMEM((128,), jnp.float32),
            pltpu.VMEM((128,), jnp.float32),
            pltpu.VMEM((128,), jnp.float32),
            pltpu.VMEM((128,), jnp.int32),
            pltpu.VMEM((128,), jnp.int32),
            pltpu.VMEM((128,), jnp.int32),
            pltpu.VMEM((128,), jnp.float32),
            pltpu.VMEM((_L, 16), jnp.float32),
            pltpu.VMEM((_L, 16), jnp.float32),
            pltpu.VMEM((_L,), jnp.float32),
            pltpu.SemaphoreType.DMA,
        ],
    )
    return f(tabl, tabr, kxh, kyh, dh, sh)



def _phy_kernel(q_ref, kxc_ref, kyc_ref, dc_ref, sc_ref, sr_ref, phy_ref):
    total = jnp.float32(0.0)
    vb = jnp.float32(0.0)

    for b in range(_B):
        points = jnp.concatenate(
            [kxc_ref[b], kyc_ref[b], dc_ref[b],
             jnp.ones((_N, 1), jnp.float32)], axis=1)
        proj = jax.lax.dot_general(points, q_ref[b],
                                   (((1,), (1,)), ((), ())))
        wc = jnp.maximum(proj[:, 3:4], 1e-6)
        x_c = proj[:, 0:1] / wc
        y_c = proj[:, 1:2] / wc
        z_c = proj[:, 2:3] / wc
        sq_c = x_c * x_c + y_c * y_c
        valid_c = jnp.logical_and(
            jnp.logical_and(z_c > 500.0, z_c < 15000.0), sc_ref[b] > 0.1)

        xy = jnp.concatenate([x_c, y_c], axis=1)
        cross = jax.lax.dot_general(xy, xy, (((1,), (1,)), ((), ())))

        z_r = jnp.transpose(z_c)
        sq_r = jnp.transpose(sq_c)
        valid_r = jnp.logical_and(
            jnp.logical_and(z_r > 500.0, z_r < 15000.0), sr_ref[b] > 0.1)

        dist2 = jnp.maximum(sq_c + sq_r - 2.0 * cross, 0.0)
        dist = jnp.sqrt(dist2)
        dist = jnp.where(valid_r, dist, _INF)

        iota = jax.lax.broadcasted_iota(jnp.int32, (_N, _N), 1)
        nzs = []
        for k in range(_K + 1):
            idx = jnp.argmin(dist, axis=1, keepdims=True)
            first = iota == idx
            if k > 0:
                nzs.append(jnp.sum(jnp.where(first, z_r, 0.0),
                                   axis=1, keepdims=True))
            if k < _K:
                dist = jnp.where(first, _INF, dist)

        nmean = (nzs[0] + nzs[1] + nzs[2] + nzs[3] + nzs[4]) * jnp.float32(0.2)
        row_var = jnp.zeros((_N, 1), jnp.float32)
        for k in range(_K):
            dk = nzs[k] - nmean
            row_var = row_var + dk * dk
        row_var = row_var * jnp.float32(1.0 / (_K - 1))

        dz = jnp.abs(z_c - nmean)
        beta = jnp.float32(10.0)
        sl_elem = jnp.where(dz < beta, 0.5 * dz * dz / beta, dz - 0.5 * beta)

        validf = valid_c.astype(jnp.float32)
        cntf = jnp.sum(validf)
        cnt_clamped = jnp.maximum(cntf, 1.0)
        local_var = jnp.sum(row_var * validf) / cnt_clamped
        sl_sum = jnp.sum(sl_elem * validf) / cnt_clamped
        include = (cntf >= 10.0).astype(jnp.float32)
        total = total + include * (sl_sum + 0.1 * local_var)
        vb = vb + include

    phy = jnp.where(vb > 0.0, total / jnp.maximum(vb, 1.0), 0.0)
    phy_ref[0, 0] = phy


def _phy(keypoints_left, disparity, scores_left, Q):
    kx = keypoints_left[..., 0]
    ky = keypoints_left[..., 1]
    kxc = kx.reshape(_B, _N, 1)
    kyc = ky.reshape(_B, _N, 1)
    dc = disparity.reshape(_B, _N, 1)
    sc = scores_left.reshape(_B, _N, 1)
    sr = scores_left.reshape(_B, 1, _N)

    smem = pl.BlockSpec(memory_space=pltpu.SMEM)
    vmem = pl.BlockSpec(memory_space=pltpu.VMEM)
    out = pl.pallas_call(
        _phy_kernel,
        out_shape=jax.ShapeDtypeStruct((1, 1), jnp.float32),
        in_specs=[vmem, vmem, vmem, vmem, vmem, vmem],
        out_specs=smem,
    )(Q, kxc, kyc, dc, sc, sr)
    return out[0, 0]


def kernel(left_gray, right_gray, keypoints_left, disparity, scores_left, Q):
    parts = _sc_photo(left_gray, right_gray, keypoints_left, disparity,
                      scores_left)
    phy = _phy(keypoints_left, disparity, scores_left, Q)
    num = jnp.sum(parts[:, 0])
    msum = jnp.sum(parts[:, 1])
    photo = jnp.where(msum > 0.0, num / jnp.maximum(msum, 1.0), 0.0)
    return (photo, phy)

# --- scband reference (transcript-rebuilt; emitter-appended) ---
"""Pipeline reference for scband-physics-informed-loss-4277787427032 (READ-ONLY COPY).

The authoritative reference and input builder live on the scoring server;
editing this copy changes nothing except your own understanding.
"""

import jax, jax.numpy as jnp
import numpy as np

PATCH_SIZE = 11
B, N, H, W = 2, 1024, 1024, 1280


def _grid_sample_bilinear_border(image, grid):
    # image: [B, C, H, W]; grid: [B, Hg, Wg, 2], normalized, align_corners=True, border padding
    Bq, C, Hh, Ww = image.shape
    gx = grid[..., 0]
    gy = grid[..., 1]
    ix = (gx + 1.0) * (Ww - 1) / 2.0
    iy = (gy + 1.0) * (Hh - 1) / 2.0
    ix = jnp.clip(ix, 0.0, Ww - 1.0)
    iy = jnp.clip(iy, 0.0, Hh - 1.0)
    ix0 = jnp.floor(ix)
    iy0 = jnp.floor(iy)
    wx = ix - ix0
    wy = iy - iy0
    x0 = jnp.clip(ix0, 0, Ww - 1).astype(jnp.int32)
    x1 = jnp.clip(ix0 + 1, 0, Ww - 1).astype(jnp.int32)
    y0 = jnp.clip(iy0, 0, Hh - 1).astype(jnp.int32)
    y1 = jnp.clip(iy0 + 1, 0, Hh - 1).astype(jnp.int32)

    def sample_one(img, y0b, x0b, y1b, x1b, wxb, wyb):
        v00 = img[:, y0b, x0b]
        v01 = img[:, y0b, x1b]
        v10 = img[:, y1b, x0b]
        v11 = img[:, y1b, x1b]
        return (v00 * (1 - wxb) * (1 - wyb) + v01 * wxb * (1 - wyb)
                + v10 * (1 - wxb) * wyb + v11 * wxb * wyb)

    return jax.vmap(sample_one)(image, y0, x0, y1, x1, wx, wy)


def _sample_patches(image, keypoints, patch_size):
    Bq, Nq, _ = keypoints.shape
    _, C, Hh, Ww = image.shape
    half = patch_size // 2
    lin = jnp.linspace(-float(half), float(half), patch_size)
    xv, yv = jnp.meshgrid(lin, lin, indexing='ij')
    grid_rel = jnp.stack([yv, xv], axis=-1).reshape(1, 1, -1, 2)
    kp_expand = keypoints[:, :, None, :] + grid_rel
    gx = 2.0 * kp_expand[..., 0] / (Ww - 1) - 1.0
    gy = 2.0 * kp_expand[..., 1] / (Hh - 1) - 1.0
    kp_norm = jnp.stack([gx, gy], axis=-1).reshape(Bq, -1, 1, 2)
    patches = _grid_sample_bilinear_border(image, kp_norm)
    return patches.reshape(Bq, C, Nq, patch_size, patch_size)


def _disparity_to_3d(keypoints, disparity, Q):
    Bq, Nq, _ = keypoints.shape
    points_4d = jnp.concatenate([keypoints, disparity[..., None], jnp.ones((Bq, Nq, 1), dtype=keypoints.dtype)], axis=-1)
    projected = jnp.einsum('bnk,bjk->bnj', points_4d, Q)
    X = projected[..., 0]
    Y = projected[..., 1]
    Z = projected[..., 2]
    Wc = jnp.maximum(projected[..., 3], 1e-6)
    return jnp.stack([X / Wc, Y / Wc, Z / Wc], axis=-1)


def _smooth_l1(pred, target, beta):
    d = jnp.abs(pred - target)
    return jnp.mean(jnp.where(d < beta, 0.5 * d * d / beta, d - 0.5 * beta))


def setup_inputs(seed: int = 0):
    key = jax.random.key(seed)
    ks = jax.random.split(key, 6)
    return {
        'left_gray': jax.random.normal(ks[0], (B, 1, H, W), dtype=jnp.float32),
        'right_gray': jax.random.normal(ks[1], (B, 1, H, W), dtype=jnp.float32),
        'keypoints_left': jax.random.uniform(ks[2], (B, N, 2), dtype=jnp.float32),
        'disparity': jax.random.uniform(ks[3], (B, N), dtype=jnp.float32),
        'scores_left': jax.random.uniform(ks[4], (B, N), dtype=jnp.float32),
        'Q': jax.random.normal(ks[5], (B, 4, 4), dtype=jnp.float32),
    }


def reference(left_gray, right_gray, keypoints_left, disparity, scores_left, Q):
    kp_right = jnp.stack([keypoints_left[..., 0] - disparity, keypoints_left[..., 1]], axis=-1)
    patches_l = _sample_patches(left_gray, keypoints_left, PATCH_SIZE)
    patches_r = _sample_patches(right_gray, kp_right, PATCH_SIZE)
    per_kp = jnp.abs(patches_l - patches_r).mean(axis=(1, 3, 4))
    mask = (scores_left > 0.1) & (disparity > 0.1)
    msum = mask.sum().astype(jnp.float32)
    photo = jnp.where(msum > 0, (per_kp * mask).sum() / jnp.maximum(msum, 1.0), 0.0)
    p3d = _disparity_to_3d(keypoints_left, disparity, Q)
    total = jnp.asarray(0.0, jnp.float32)
    vb = jnp.asarray(0, jnp.int32)
    for b in range(p3d.shape[0]):
        valid = (p3d[b, :, 2] > 500.0) & (p3d[b, :, 2] < 15000.0) & (scores_left[b] > 0.1)
        cnt = valid.sum()
        include = cnt >= 10
        xy = p3d[b][:, :2]
        sq = jnp.sum(xy * xy, axis=1)
        dist = jnp.sqrt(jnp.maximum(sq[:, None] + sq[None, :] - 2.0 * (xy @ xy.T), 0.0))
        dist = jnp.where(valid[None, :], dist, jnp.inf)
        K = 5
        _, indices = jax.lax.top_k(-dist, K + 1)
        nidx = indices[:, 1:]
        z = p3d[b][:, 2]
        nz = z[nidx]
        nmean = nz.mean(axis=1)
        row_var = ((nz - nmean[:, None]) ** 2).sum(axis=1) / max(K - 1, 1)
        cntf = jnp.maximum(cnt.astype(jnp.float32), 1.0)
        local_var = jnp.where(valid, row_var, 0.0).sum() / cntf
        d = jnp.abs(z - nmean)
        beta = 10.0
        sl_elem = jnp.where(d < beta, 0.5 * d * d / beta, d - 0.5 * beta)
        sl = jnp.where(valid, sl_elem, 0.0).sum() / cntf
        total = total + jnp.where(include, sl + 0.1 * local_var, 0.0)
        vb = vb + include.astype(jnp.int32)
    vbf = vb.astype(jnp.float32)
    phy = jnp.where(vb > 0, total / jnp.maximum(vbf, 1.0), jnp.asarray(0.0, jnp.float32))
    return (photo, phy)

if __name__ == "__main__":
    import jax
    _d = setup_inputs()
    print(jax.jit(kernel)(*tuple(_d.values())))

</pallas_src>

<mosaic_0001>
#map = affine_map<(d0, d1) -> (0, 0)>
#map1 = affine_map<(d0, d1) -> (0)>
module attributes {stable_mosaic.version = 14 : i64} {
  func.func @_sc_photo_body(%arg0: i32, %arg1: i32, %arg2: memref<163840x16xf32, #tpu.memory_space<hbm>>, %arg3: memref<163840x16xf32, #tpu.memory_space<hbm>>, %arg4: memref<2048xf32, #tpu.memory_space<hbm>>, %arg5: memref<2048xf32, #tpu.memory_space<hbm>>, %arg6: memref<2048xf32, #tpu.memory_space<hbm>>, %arg7: memref<2048xf32, #tpu.memory_space<hbm>>, %arg8: memref<32x16xf32, #tpu.memory_space<hbm>>, %arg9: memref<128xf32, #tpu.memory_space<vmem>>, %arg10: memref<128xf32, #tpu.memory_space<vmem>>, %arg11: memref<128xf32, #tpu.memory_space<vmem>>, %arg12: memref<128xf32, #tpu.memory_space<vmem>>, %arg13: memref<128xf32, #tpu.memory_space<vmem>>, %arg14: memref<128xf32, #tpu.memory_space<vmem>>, %arg15: memref<128xf32, #tpu.memory_space<vmem>>, %arg16: memref<128xi32, #tpu.memory_space<vmem>>, %arg17: memref<128xi32, #tpu.memory_space<vmem>>, %arg18: memref<128xi32, #tpu.memory_space<vmem>>, %arg19: memref<128xf32, #tpu.memory_space<vmem>>, %arg20: memref<16x16xf32, #tpu.memory_space<vmem>>, %arg21: memref<16x16xf32, #tpu.memory_space<vmem>>, %arg22: memref<16xf32, #tpu.memory_space<vmem>>, %arg23: memref<!tpu.dma_semaphore, #tpu.memory_space<semaphore_mem>>) attributes {dimension_semantics = [#tpu.dimension_semantics<core_parallel>, #tpu.dimension_semantics<subcore_parallel>], iteration_bounds = array<i64: 2, 16>, scalar_prefetch = 0 : i64, scratch_operands = 15 : i64, tpu.core_type = #tpu.core_type<sc_vector_subcore>, window_params = [{transform_indices = #map}, {transform_indices = #map}, {transform_indices = #map1}, {transform_indices = #map1}, {transform_indices = #map1}, {transform_indices = #map1}, {transform_indices = #map}]} {
    %mul3A = arith.constant 2 : i32
    %mul3A_0 = arith.muli %arg1, %mul3A : i32
    %add3A = arith.addi %mul3A_0, %arg0 : i32
    %mul3A_1 = arith.constant 64 : i32
    %mul3A_2 = arith.muli %add3A, %mul3A_1 : i32
    %jit3A = arith.constant 16 : i32
    %div3A = arith.divsi %add3A, %jit3A : i32
    %sign3A = arith.constant 0 : i32
    %sign3A_3 = arith.cmpi sgt, %add3A, %sign3A : i32
    %sign3A_4 = arith.extui %sign3A_3 : i1 to i32
    %sign3A_5 = arith.constant 0 : i32
    %sign3A_6 = arith.cmpi slt, %add3A, %sign3A_5 : i32
    %sign3A_7 = arith.extui %sign3A_6 : i1 to i32
    %sign3A_8 = arith.subi %sign3A_4, %sign3A_7 : i32
    %sign3A_9 = arith.constant 0 : i32
    %sign3A_10 = arith.cmpi sgt, %jit3A, %sign3A_9 : i32
    %sign3A_11 = arith.extui %sign3A_10 : i1 to i32
    %sign3A_12 = arith.constant 0 : i32
    %sign3A_13 = arith.cmpi slt, %jit3A, %sign3A_12 : i32
    %sign3A_14 = arith.extui %sign3A_13 : i1 to i32
    %sign3A_15 = arith.subi %sign3A_11, %sign3A_14 : i32
    %ne3A = arith.cmpi ne, %sign3A_8, %sign3A_15 : i32
    %rem3A = arith.remsi %add3A, %jit3A : i32
    %ne3A_16 = arith.constant 0 : i32
    %ne3A_17 = arith.cmpi ne, %rem3A, %ne3A_16 : i32
    %and3A = arith.andi %ne3A, %ne3A_17 : i1
    %sub3A = arith.constant 1 : i32
    %sub3A_18 = arith.subi %div3A, %sub3A : i32
    %select_n3A = arith.select %and3A, %sub3A_18, %div3A : i32
    "tpu.region"() ({
      %run_scoped3A = tpu.sem_alloc : memref<!tpu.dma_semaphore, #tpu.memory_space<semaphore_mem>>
      %dma_start3A_315 = arith.constant 0 : i32
      %dma_start3A_316 = tpu.memref_slice %arg9[%dma_start3A_315] : memref<128xf32, #tpu.memory_space<vmem>> -> memref<64xf32, #tpu.memory_space<vmem>>
      %dma_start3A_317 = tpu.memref_slice %arg4[%mul3A_2] : memref<2048xf32, #tpu.memory_space<hbm>> -> memref<64xf32, #tpu.memory_space<hbm>>
      %dma_start3A_318 = arith.constant 0 : i32
      %dma_start3A_319 = tpu.memref_slice %arg9[%dma_start3A_318] : memref<128xf32, #tpu.memory_space<vmem>> -> memref<64xf32, #tpu.memory_space<vmem>>
      %dma_start3A_320 = tpu.memref_slice %arg4[%mul3A_2] : memref<2048xf32, #tpu.memory_space<hbm>> -> memref<64xf32, #tpu.memory_space<hbm>>
      tpu.enqueue_dma source(%dma_start3A_320 : memref<64xf32, #tpu.memory_space<hbm>>) target(%dma_start3A_319 : memref<64xf32, #tpu.memory_space<vmem>>) target_semaphore(%run_scoped3A : memref<!tpu.dma_semaphore, #tpu.memory_space<semaphore_mem>>)
      %dma_wait3A_321 = arith.constant 0 : i32
      %dma_wait3A_322 = tpu.memref_slice %arg9[%dma_wait3A_321] : memref<128xf32, #tpu.memory_space<vmem>> -> memref<64xf32, #tpu.memory_space<vmem>>
      %dma_wait3A_323 = tpu.memref_slice %arg4[%mul3A_2] : memref<2048xf32, #tpu.memory_space<hbm>> -> memref<64xf32, #tpu.memory_space<hbm>>
      %dma_wait3A_324 = arith.constant 0 : i32
      %dma_wait3A_325 = tpu.memref_slice %arg9[%dma_wait3A_324] : memref<128xf32, #tpu.memory_space<vmem>> -> memref<64xf32, #tpu.memory_space<vmem>>
      %dma_wait3A_326 = tpu.memref_slice %arg4[%mul3A_2] : memref<2048xf32, #tpu.memory_space<hbm>> -> memref<64xf32, #tpu.memory_space<hbm>>
      tpu.wait_dma2 semaphore(%run_scoped3A : memref<!tpu.dma_semaphore, #tpu.memory_space<semaphore_mem>>) src(%dma_wait3A_326 : memref<64xf32, #tpu.memory_space<hbm>>) dst(%dma_wait3A_325 : memref<64xf32, #tpu.memory_space<vmem>>)
      tpu.yield
    }) : () -> ()
    "tpu.region"() ({
      %run_scoped3A = tpu.sem_alloc : memref<!tpu.dma_semaphore, #tpu.memory_space<semaphore_mem>>
      %dma_start3A_315 = arith.constant 0 : i32
      %dma_start3A_316 = tpu.memref_slice %arg10[%dma_start3A_315] : memref<128xf32, #tpu.memory_space<vmem>> -> memref<64xf32, #tpu.memory_space<vmem>>
      %dma_start3A_317 = tpu.memref_slice %arg5[%mul3A_2] : memref<2048xf32, #tpu.memory_space<hbm>> -> memref<64xf32, #tpu.memory_space<hbm>>
      %dma_start3A_318 = arith.constant 0 : i32
      %dma_start3A_319 = tpu.memref_slice %arg10[%dma_start3A_318] : memref<128xf32, #tpu.memory_space<vmem>> -> memref<64xf32, #tpu.memory_space<vmem>>
      %dma_start3A_320 = tpu.memref_slice %arg5[%mul3A_2] : memref<2048xf32, #tpu.memory_space<hbm>> -> memref<64xf32, #tpu.memory_space<hbm>>
      tpu.enqueue_dma source(%dma_start3A_320 : memref<64xf32, #tpu.memory_space<hbm>>) target(%dma_start3A_319 : memref<64xf32, #tpu.memory_space<vmem>>) target_semaphore(%run_scoped3A : memref<!tpu.dma_semaphore, #tpu.memory_space<semaphore_mem>>)
      %dma_wait3A_321 = arith.constant 0 : i32
      %dma_wait3A_322 = tpu.memref_slice %arg10[%dma_wait3A_321] : memref<128xf32, #tpu.memory_space<vmem>> -> memref<64xf32, #tpu.memory_space<vmem>>
      %dma_wait3A_323 = tpu.memref_slice %arg5[%mul3A_2] : memref<2048xf32, #tpu.memory_space<hbm>> -> memref<64xf32, #tpu.memory_space<hbm>>
      %dma_wait3A_324 = arith.constant 0 : i32
      %dma_wait3A_325 = tpu.memref_slice %arg10[%dma_wait3A_324] : memref<128xf32, #tpu.memory_space<vmem>> -> memref<64xf32, #tpu.memory_space<vmem>>
      %dma_wait3A_326 = tpu.memref_slice %arg5[%mul3A_2] : memref<2048xf32, #tpu.memory_space<hbm>> -> memref<64xf32, #tpu.memory_space<hbm>>
      tpu.wait_dma2 semaphore(%run_scoped3A : memref<!tpu.dma_semaphore, #tpu.memory_space<semaphore_mem>>) src(%dma_wait3A_326 : memref<64xf32, #tpu.memory_space<hbm>>) dst(%dma_wait3A_325 : memref<64xf32, #tpu.memory_space<vmem>>)
      tpu.yield
    }) : () -> ()
    "tpu.region"() ({
      %run_scoped3A = tpu.sem_alloc : memref<!tpu.dma_semaphore, #tpu.memory_space<semaphore_mem>>
      %dma_start3A_315 = arith.constant 0 : i32
      %dma_start3A_316 = tpu.memref_slice %arg11[%dma_start3A_315] : memref<128xf32, #tpu.memory_space<vmem>> -> memref<64xf32, #tpu.memory_space<vmem>>
      %dma_start3A_317 = tpu.memref_slice %arg6[%mul3A_2] : memref<2048xf32, #tpu.memory_space<hbm>> -> memref<64xf32, #tpu.memory_space<hbm>>
      %dma_start3A_318 = arith.constant 0 : i32
      %dma_start3A_319 = tpu.memref_slice %arg11[%dma_start3A_318] : memref<128xf32, #tpu.memory_space<vmem>> -> memref<64xf32, #tpu.memory_space<vmem>>
      %dma_start3A_320 = tpu.memref_slice %arg6[%mul3A_2] : memref<2048xf32, #tpu.memory_space<hbm>> -> memref<64xf32, #tpu.memory_space<hbm>>
      tpu.enqueue_dma source(%dma_start3A_320 : memref<64xf32, #tpu.memory_space<hbm>>) target(%dma_start3A_319 : memref<64xf32, #tpu.memory_space<vmem>>) target_semaphore(%run_scoped3A : memref<!tpu.dma_semaphore, #tpu.memory_space<semaphore_mem>>)
      %dma_wait3A_321 = arith.constant 0 : i32
      %dma_wait3A_322 = tpu.memref_slice %arg11[%dma_wait3A_321] : memref<128xf32, #tpu.memory_space<vmem>> -> memref<64xf32, #tpu.memory_space<vmem>>
      %dma_wait3A_323 = tpu.memref_slice %arg6[%mul3A_2] : memref<2048xf32, #tpu.memory_space<hbm>> -> memref<64xf32, #tpu.memory_space<hbm>>
      %dma_wait3A_324 = arith.constant 0 : i32
      %dma_wait3A_325 = tpu.memref_slice %arg11[%dma_wait3A_324] : memref<128xf32, #tpu.memory_space<vmem>> -> memref<64xf32, #tpu.memory_space<vmem>>
      %dma_wait3A_326 = tpu.memref_slice %arg6[%mul3A_2] : memref<2048xf32, #tpu.memory_space<hbm>> -> memref<64xf32, #tpu.memory_space<hbm>>
      tpu.wait_dma2 semaphore(%run_scoped3A : memref<!tpu.dma_semaphore, #tpu.memory_space<semaphore_mem>>) src(%dma_wait3A_326 : memref<64xf32, #tpu.memory_space<hbm>>) dst(%dma_wait3A_325 : memref<64xf32, #tpu.memory_space<vmem>>)
      tpu.yield
    }) : () -> ()
    "tpu.region"() ({
      %run_scoped3A = tpu.sem_alloc : memref<!tpu.dma_semaphore, #tpu.memory_space<semaphore_mem>>
      %dma_start3A_315 = arith.constant 0 : i32
      %dma_start3A_316 = tpu.memref_slice %arg12[%dma_start3A_315] : memref<128xf32, #tpu.memory_space<vmem>> -> memref<64xf32, #tpu.memory_space<vmem>>
      %dma_start3A_317 = tpu.memref_slice %arg7[%mul3A_2] : memref<2048xf32, #tpu.memory_space<hbm>> -> memref<64xf32, #tpu.memory_space<hbm>>
      %dma_start3A_318 = arith.constant 0 : i32
      %dma_start3A_319 = tpu.memref_slice %arg12[%dma_start3A_318] : memref<128xf32, #tpu.memory_space<vmem>> -> memref<64xf32, #tpu.memory_space<vmem>>
      %dma_start3A_320 = tpu.memref_slice %arg7[%mul3A_2] : memref<2048xf32, #tpu.memory_space<hbm>> -> memref<64xf32, #tpu.memory_space<hbm>>
      tpu.enqueue_dma source(%dma_start3A_320 : memref<64xf32, #tpu.memory_space<hbm>>) target(%dma_start3A_319 : memref<64xf32, #tpu.memory_space<vmem>>) target_semaphore(%run_scoped3A : memref<!tpu.dma_semaphore, #tpu.memory_space<semaphore_mem>>)
      %dma_wait3A_321 = arith.constant 0 : i32
      %dma_wait3A_322 = tpu.memref_slice %arg12[%dma_wait3A_321] : memref<128xf32, #tpu.memory_space<vmem>> -> memref<64xf32, #tpu.memory_space<vmem>>
      %dma_wait3A_323 = tpu.memref_slice %arg7[%mul3A_2] : memref<2048xf32, #tpu.memory_space<hbm>> -> memref<64xf32, #tpu.memory_space<hbm>>
      %dma_wait3A_324 = arith.constant 0 : i32
      %dma_wait3A_325 = tpu.memref_slice %arg12[%dma_wait3A_324] : memref<128xf32, #tpu.memory_space<vmem>> -> memref<64xf32, #tpu.memory_space<vmem>>
      %dma_wait3A_326 = tpu.memref_slice %arg7[%mul3A_2] : memref<2048xf32, #tpu.memory_space<hbm>> -> memref<64xf32, #tpu.memory_space<hbm>>
      tpu.wait_dma2 semaphore(%run_scoped3A : memref<!tpu.dma_semaphore, #tpu.memory_space<semaphore_mem>>) src(%dma_wait3A_326 : memref<64xf32, #tpu.memory_space<hbm>>) dst(%dma_wait3A_325 : memref<64xf32, #tpu.memory_space<vmem>>)
      tpu.yield
    }) : () -> ()
    %iota3A = tpu.iota {dimensions = array<i32: 0>} : vector<16xi32>
    %mul3A_19 = arith.constant 1024 : i32
    %mul3A_20 = arith.muli %select_n3A, %mul3A_19 : i32
    %min3A = arith.constant 1023 : i32
    %min3A_21 = vector.broadcast %min3A : i32 to vector<16xi32>
    %min3A_22 = arith.minsi %iota3A, %min3A_21 : vector<16xi32>
    %add3A_23 = vector.broadcast %mul3A_20 : i32 to vector<16xi32>
    %add3A_24 = arith.addi %add3A_23, %min3A_22 : vector<16xi32>
    %mul3A_25 = arith.constant 80 : i32
    %mul3A_26 = vector.broadcast %mul3A_25 : i32 to vector<16xi32>
    %mul3A_27 = arith.muli %add3A_24, %mul3A_26 : vector<16xi32>
    %dma_start3A = arith.constant 0 : i32
    %dma_start3A_28 = arith.constant 0 : i32
    %dma_start3A_29 = tpu.memref_slice %arg2[%dma_start3A, %dma_start3A_28] : memref<163840x16xf32, #tpu.memory_space<hbm>> -> memref<163840x16xf32, #tpu.memory_space<hbm>>
    tpu.enqueue_indirect_dma source(%dma_start3A_29 : memref<163840x16xf32, #tpu.memory_space<hbm>>) target(%arg20 : memref<16x16xf32, #tpu.memory_space<vmem>>) offsets(%mul3A_27 : vector<16xi32>) semaphore(%arg23 : memref<!tpu.dma_semaphore, #tpu.memory_space<semaphore_mem>>)
    %dma_start3A_30 = arith.constant 0 : i32
    %dma_start3A_31 = arith.constant 0 : i32
    %dma_start3A_32 = tpu.memref_slice %arg3[%dma_start3A_30, %dma_start3A_31] : memref<163840x16xf32, #tpu.memory_space<hbm>> -> memref<163840x16xf32, #tpu.memory_space<hbm>>
    tpu.enqueue_indirect_dma source(%dma_start3A_32 : memref<163840x16xf32, #tpu.memory_space<hbm>>) target(%arg21 : memref<16x16xf32, #tpu.memory_space<vmem>>) offsets(%mul3A_27 : vector<16xi32>) semaphore(%arg23 : memref<!tpu.dma_semaphore, #tpu.memory_space<semaphore_mem>>)
    %broadcast_in_dim3A = arith.constant 0.000000e+00 : f32
    %broadcast_in_dim3A_33 = vector.broadcast %broadcast_in_dim3A : f32 to vector<16xf32>
    %get3A = arith.constant 0 : index
    %get3A_34 = tpu.vector_load %arg9[%get3A] {strides = array<i32>} : memref<128xf32, #tpu.memory_space<vmem>>, vector<16xf32>,
    %get3A_35 = arith.constant 0 : index
    %get3A_36 = tpu.vector_load %arg10[%get3A_35] {strides = array<i32>} : memref<128xf32, #tpu.memory_space<vmem>>, vector<16xf32>,
    %get3A_37 = arith.constant 0 : index
    %get3A_38 = tpu.vector_load %arg11[%get3A_37] {strides = array<i32>} : memref<128xf32, #tpu.memory_space<vmem>>, vector<16xf32>,
    %get3A_39 = arith.constant 0 : index
    %get3A_40 = tpu.vector_load %arg12[%get3A_39] {strides = array<i32>} : memref<128xf32, #tpu.memory_space<vmem>>, vector<16xf32>,
    %convert_element_type3A = arith.fptosi %get3A_36 : vector<16xf32> to vector<16xi32>
    %sub3A_41 = arith.constant 5 : i32
    %sub3A_42 = vector.broadcast %sub3A_41 : i32 to vector<16xi32>
    %sub3A_43 = arith.subi %convert_element_type3A, %sub3A_42 : vector<16xi32>
    %swap3A = arith.constant 0 : index
    %swap3A_44 = tpu.vector_load %arg18[%swap3A] {strides = array<i32>} : memref<128xi32, #tpu.memory_space<vmem>>, vector<16xi32>,
    tpu.vector_store %arg18[%swap3A], %sub3A_43 {strides = array<i32>} : memref<128xi32, #tpu.memory_space<vmem>>, vector<16xi32>,
    %convert_element_type3A_45 = arith.fptosi %get3A_36 : vector<16xf32> to vector<16xi32>
    %convert_element_type3A_46 = arith.sitofp %convert_element_type3A_45 : vector<16xi32> to vector<16xf32>
    %sub3A_47 = arith.subf %get3A_36, %convert_element_type3A_46 : vector<16xf32>
    %swap3A_48 = arith.constant 0 : index
    %swap3A_49 = tpu.vector_load %arg13[%swap3A_48] {strides = array<i32>} : memref<128xf32, #tpu.memory_space<vmem>>, vector<16xf32>,
    tpu.vector_store %arg13[%swap3A_48], %sub3A_47 {strides = array<i32>} : memref<128xf32, #tpu.memory_space<vmem>>, vector<16xf32>,
    %convert_element_type3A_50 = arith.fptosi %get3A_34 : vector<16xf32> to vector<16xi32>
    %sub3A_51 = arith.constant 5 : i32
    %sub3A_52 = vector.broadcast %sub3A_51 : i32 to vector<16xi32>
    %sub3A_53 = arith.subi %convert_element_type3A_50, %sub3A_52 : vector<16xi32>
    %swap3A_54 = arith.constant 0 : index
    %swap3A_55 = tpu.vector_load %arg16[%swap3A_54] {strides = array<i32>} : memref<128xi32, #tpu.memory_space<vmem>>, vector<16xi32>,
    tpu.vector_store %arg16[%swap3A_54], %sub3A_53 {strides = array<i32>} : memref<128xi32, #tpu.memory_space<vmem>>, vector<16xi32>,
    %convert_element_type3A_56 = arith.fptosi %get3A_34 : vector<16xf32> to vector<16xi32>
    %convert_element_type3A_57 = arith.sitofp %convert_element_type3A_56 : vector<16xi32> to vector<16xf32>
    %sub3A_58 = arith.subf %get3A_34, %convert_element_type3A_57 : vector<16xf32>
    %swap3A_59 = arith.constant 0 : index
    %swap3A_60 = tpu.vector_load %arg14[%swap3A_59] {strides = array<i32>} : memref<128xf32, #tpu.memory_space<vmem>>, vector<16xf32>,
    tpu.vector_store %arg14[%swap3A_59], %sub3A_58 {strides = array<i32>} : memref<128xf32, #tpu.memory_space<vmem>>, vector<16xf32>,
    %sub3A_61 = arith.subf %get3A_34, %get3A_38 : vector<16xf32>
    %add3A_62 = arith.constant 1.000000e+00 : f32
    %add3A_63 = vector.broadcast %add3A_62 : f32 to vector<16xf32>
    %add3A_64 = arith.addf %sub3A_61, %add3A_63 : vector<16xf32>
    %convert_element_type3A_65 = arith.fptosi %add3A_64 : vector<16xf32> to vector<16xi32>
    %sub3A_66 = arith.constant 1 : i32
    %sub3A_67 = vector.broadcast %sub3A_66 : i32 to vector<16xi32>
    %sub3A_68 = arith.subi %convert_element_type3A_65, %sub3A_67 : vector<16xi32>
    %sub3A_69 = arith.constant 5 : i32
    %sub3A_70 = vector.broadcast %sub3A_69 : i32 to vector<16xi32>
    %sub3A_71 = arith.subi %sub3A_68, %sub3A_70 : vector<16xi32>
    %swap3A_72 = arith.constant 0 : index
    %swap3A_73 = tpu.vector_load %arg17[%swap3A_72] {strides = array<i32>} : memref<128xi32, #tpu.memory_space<vmem>>, vector<16xi32>,
    tpu.vector_store %arg17[%swap3A_72], %sub3A_71 {strides = array<i32>} : memref<128xi32, #tpu.memory_space<vmem>>, vector<16xi32>,
    %convert_element_type3A_74 = arith.sitofp %sub3A_68 : vector<16xi32> to vector<16xf32>
    %sub3A_75 = arith.subf %sub3A_61, %convert_element_type3A_74 : vector<16xf32>
    %swap3A_76 = arith.constant 0 : index
    %swap3A_77 = tpu.vector_load %arg15[%swap3A_76] {strides = array<i32>} : memref<128xf32, #tpu.memory_space<vmem>>, vector<16xf32>,
    tpu.vector_store %arg15[%swap3A_76], %sub3A_75 {strides = array<i32>} : memref<128xf32, #tpu.memory_space<vmem>>, vector<16xf32>,
    %gt3A = arith.constant 1.000000e-01 : f32
    %gt3A_78 = vector.broadcast %gt3A : f32 to vector<16xf32>
    %gt3A_79 = arith.cmpf ogt, %get3A_40, %gt3A_78 : vector<16xf32>
    %gt3A_80 = arith.constant 1.000000e-01 : f32
    %gt3A_81 = vector.broadcast %gt3A_80 : f32 to vector<16xf32>
    %gt3A_82 = arith.cmpf ogt, %get3A_38, %gt3A_81 : vector<16xf32>
    %and3A_83 = arith.andi %gt3A_79, %gt3A_82 : vector<16xi1>
    %jit3A_84 = arith.constant 1.000000e+00 : f32
    %jit3A_85 = arith.constant 0.000000e+00 : f32
    %broadcast_in_dim3A_86 = vector.broadcast %jit3A_84 : f32 to vector<16xf32>
    %broadcast_in_dim3A_87 = vector.broadcast %jit3A_85 : f32 to vector<16xf32>
    %select_n3A_88 = arith.select %and3A_83, %broadcast_in_dim3A_86, %broadcast_in_dim3A_87 : vector<16xi1>, vector<16xf32>
    %swap3A_89 = arith.constant 0 : index
    %swap3A_90 = tpu.vector_load %arg19[%swap3A_89] {strides = array<i32>} : memref<128xf32, #tpu.memory_space<vmem>>, vector<16xf32>,
    tpu.vector_store %arg19[%swap3A_89], %select_n3A_88 {strides = array<i32>} : memref<128xf32, #tpu.memory_space<vmem>>, vector<16xf32>,
    %add3A_91 = arith.addf %broadcast_in_dim3A_33, %select_n3A_88 : vector<16xf32>
    %get3A_92 = arith.constant 16 : index
    %get3A_93 = tpu.vector_load %arg9[%get3A_92] {strides = array<i32>} : memref<128xf32, #tpu.memory_space<vmem>>, vector<16xf32>,
    %get3A_94 = arith.constant 16 : index
    %get3A_95 = tpu.vector_load %arg10[%get3A_94] {strides = array<i32>} : memref<128xf32, #tpu.memory_space<vmem>>, vector<16xf32>,
    %get3A_96 = arith.constant 16 : index
    %get3A_97 = tpu.vector_load %arg11[%get3A_96] {strides = array<i32>} : memref<128xf32, #tpu.memory_space<vmem>>, vector<16xf32>,
    %get3A_98 = arith.constant 16 : index
    %get3A_99 = tpu.vector_load %arg12[%get3A_98] {strides = array<i32>} : memref<128xf32, #tpu.memory_space<vmem>>, vector<16xf32>,
    %convert_element_type3A_100 = arith.fptosi %get3A_95 : vector<16xf32> to vector<16xi32>
    %sub3A_101 = arith.constant 5 : i32
    %sub3A_102 = vector.broadcast %sub3A_101 : i32 to vector<16xi32>
    %sub3A_103 = arith.subi %convert_element_type3A_100, %sub3A_102 : vector<16xi32>
    %swap3A_104 = arith.constant 16 : index
    %swap3A_105 = tpu.vector_load %arg18[%swap3A_104] {strides = array<i32>} : memref<128xi32, #tpu.memory_space<vmem>>, vector<16xi32>,
    tpu.vector_store %arg18[%swap3A_104], %sub3A_103 {strides = array<i32>} : memref<128xi32, #tpu.memory_space<vmem>>, vector<16xi32>,
    %convert_element_type3A_106 = arith.fptosi %get3A_95 : vector<16xf32> to vector<16xi32>
    %convert_element_type3A_107 = arith.sitofp %convert_element_type3A_106 : vector<16xi32> to vector<16xf32>
    %sub3A_108 = arith.subf %get3A_95, %convert_element_type3A_107 : vector<16xf32>
    %swap3A_109 = arith.constant 16 : index
    %swap3A_110 = tpu.vector_load %arg13[%swap3A_109] {strides = array<i32>} : memref<128xf32, #tpu.memory_space<vmem>>, vector<16xf32>,
    tpu.vector_store %arg13[%swap3A_109], %sub3A_108 {strides = array<i32>} : memref<128xf32, #tpu.memory_space<vmem>>, vector<16xf32>,
    %convert_element_type3A_111 = arith.fptosi %get3A_93 : vector<16xf32> to vector<16xi32>
    %sub3A_112 = arith.constant 5 : i32
    %sub3A_113 = vector.broadcast %sub3A_112 : i32 to vector<16xi32>
    %sub3A_114 = arith.subi %convert_element_type3A_111, %sub3A_113 : vector<16xi32>
    %swap3A_115 = arith.constant 16 : index
    %swap3A_116 = tpu.vector_load %arg16[%swap3A_115] {strides = array<i32>} : memref<128xi32, #tpu.memory_space<vmem>>, vector<16xi32>,
    tpu.vector_store %arg16[%swap3A_115], %sub3A_114 {strides = array<i32>} : memref<128xi32, #tpu.memory_space<vmem>>, vector<16xi32>,
    %convert_element_type3A_117 = arith.fptosi %get3A_93 : vector<16xf32> to vector<16xi32>
    %convert_element_type3A_118 = arith.sitofp %convert_element_type3A_117 : vector<16xi32> to vector<16xf32>
    %sub3A_119 = arith.subf %get3A_93, %convert_element_type3A_118 : vector<16xf32>
    %swap3A_120 = arith.constant 16 : index
    %swap3A_121 = tpu.vector_load %arg14[%swap3A_120] {strides = array<i32>} : memref<128xf32, #tpu.memory_space<vmem>>, vector<16xf32>,
    tpu.vector_store %arg14[%swap3A_120], %sub3A_119 {strides = array<i32>} : memref<128xf32, #tpu.memory_space<vmem>>, vector<16xf32>,
    %sub3A_122 = arith.subf %get3A_93, %get3A_97 : vector<16xf32>
    %add3A_123 = arith.constant 1.000000e+00 : f32
    %add3A_124 = vector.broadcast %add3A_123 : f32 to vector<16xf32>
    %add3A_125 = arith.addf %sub3A_122, %add3A_124 : vector<16xf32>
    %convert_element_type3A_126 = arith.fptosi %add3A_125 : vector<16xf32> to vector<16xi32>
    %sub3A_127 = arith.constant 1 : i32
    %sub3A_128 = vector.broadcast %sub3A_127 : i32 to vector<16xi32>
    %sub3A_129 = arith.subi %convert_element_type3A_126, %sub3A_128 : vector<16xi32>
    %sub3A_130 = arith.constant 5 : i32
    %sub3A_131 = vector.broadcast %sub3A_130 : i32 to vector<16xi32>
    %sub3A_132 = arith.subi %sub3A_129, %sub3A_131 : vector<16xi32>
    %swap3A_133 = arith.constant 16 : index
    %swap3A_134 = tpu.vector_load %arg17[%swap3A_133] {strides = array<i32>} : memref<128xi32, #tpu.memory_space<vmem>>, vector<16xi32>,
    tpu.vector_store %arg17[%swap3A_133], %sub3A_132 {strides = array<i32>} : memref<128xi32, #tpu.memory_space<vmem>>, vector<16xi32>,
    %convert_element_type3A_135 = arith.sitofp %sub3A_129 : vector<16xi32> to vector<16xf32>
    %sub3A_136 = arith.subf %sub3A_122, %convert_element_type3A_135 : vector<16xf32>
    %swap3A_137 = arith.constant 16 : index
    %swap3A_138 = tpu.vector_load %arg15[%swap3A_137] {strides = array<i32>} : memref<128xf32, #tpu.memory_space<vmem>>, vector<16xf32>,
    tpu.vector_store %arg15[%swap3A_137], %sub3A_136 {strides = array<i32>} : memref<128xf32, #tpu.memory_space<vmem>>, vector<16xf32>,
    %gt3A_139 = arith.constant 1.000000e-01 : f32
    %gt3A_140 = vector.broadcast %gt3A_139 : f32 to vector<16xf32>
    %gt3A_141 = arith.cmpf ogt, %get3A_99, %gt3A_140 : vector<16xf32>
    %gt3A_142 = arith.constant 1.000000e-01 : f32
    %gt3A_143 = vector.broadcast %gt3A_142 : f32 to vector<16xf32>
    %gt3A_144 = arith.cmpf ogt, %get3A_97, %gt3A_143 : vector<16xf32>
    %and3A_145 = arith.andi %gt3A_141, %gt3A_144 : vector<16xi1>
    %jit3A_146 = arith.constant 1.000000e+00 : f32
    %jit3A_147 = arith.constant 0.000000e+00 : f32
    %broadcast_in_dim3A_148 = vector.broadcast %jit3A_146 : f32 to vector<16xf32>
    %broadcast_in_dim3A_149 = vector.broadcast %jit3A_147 : f32 to vector<16xf32>
    %select_n3A_150 = arith.select %and3A_145, %broadcast_in_dim3A_148, %broadcast_in_dim3A_149 : vector<16xi1>, vector<16xf32>
    %swap3A_151 = arith.constant 16 : index
    %swap3A_152 = tpu.vector_load %arg19[%swap3A_151] {strides = array<i32>} : memref<128xf32, #tpu.memory_space<vmem>>, vector<16xf32>,
    tpu.vector_store %arg19[%swap3A_151], %select_n3A_150 {strides = array<i32>} : memref<128xf32, #tpu.memory_space<vmem>>, vector<16xf32>,
    %add3A_153 = arith.addf %add3A_91, %select_n3A_150 : vector<16xf32>
    %get3A_154 = arith.constant 32 : index
    %get3A_155 = tpu.vector_load %arg9[%get3A_154] {strides = array<i32>} : memref<128xf32, #tpu.memory_space<vmem>>, vector<16xf32>,
    %get3A_156 = arith.constant 32 : index
    %get3A_157 = tpu.vector_load %arg10[%get3A_156] {strides = array<i32>} : memref<128xf32, #tpu.memory_space<vmem>>, vector<16xf32>,
    %get3A_158 = arith.constant 32 : index
    %get3A_159 = tpu.vector_load %arg11[%get3A_158] {strides = array<i32>} : memref<128xf32, #tpu.memory_space<vmem>>, vector<16xf32>,
    %get3A_160 = arith.constant 32 : index
    %get3A_161 = tpu.vector_load %arg12[%get3A_160] {strides = array<i32>} : memref<128xf32, #tpu.memory_space<vmem>>, vector<16xf32>,
    %convert_element_type3A_162 = arith.fptosi %get3A_157 : vector<16xf32> to vector<16xi32>
    %sub3A_163 = arith.constant 5 : i32
    %sub3A_164 = vector.broadcast %sub3A_163 : i32 to vector<16xi32>
    %sub3A_165 = arith.subi %convert_element_type3A_162, %sub3A_164 : vector<16xi32>
    %swap3A_166 = arith.constant 32 : index
    %swap3A_167 = tpu.vector_load %arg18[%swap3A_166] {strides = array<i32>} : memref<128xi32, #tpu.memory_space<vmem>>, vector<16xi32>,
    tpu.vector_store %arg18[%swap3A_166], %sub3A_165 {strides = array<i32>} : memref<128xi32, #tpu.memory_space<vmem>>, vector<16xi32>,
    %convert_element_type3A_168 = arith.fptosi %get3A_157 : vector<16xf32> to vector<16xi32>
    %convert_element_type3A_169 = arith.sitofp %convert_element_type3A_168 : vector<16xi32> to vector<16xf32>
    %sub3A_170 = arith.subf %get3A_157, %convert_element_type3A_169 : vector<16xf32>
    %swap3A_171 = arith.constant 32 : index
    %swap3A_172 = tpu.vector_load %arg13[%swap3A_171] {strides = array<i32>} : memref<128xf32, #tpu.memory_space<vmem>>, vector<16xf32>,
    tpu.vector_store %arg13[%swap3A_171], %sub3A_170 {strides = array<i32>} : memref<128xf32, #tpu.memory_space<vmem>>, vector<16xf32>,
    %convert_element_type3A_173 = arith.fptosi %get3A_155 : vector<16xf32> to vector<16xi32>
    %sub3A_174 = arith.constant 5 : i32
    %sub3A_175 = vector.broadcast %sub3A_174 : i32 to vector<16xi32>
    %sub3A_176 = arith.subi %convert_element_type3A_173, %sub3A_175 : vector<16xi32>
    %swap3A_177 = arith.constant 32 : index
    %swap3A_178 = tpu.vector_load %arg16[%swap3A_177] {strides = array<i32>} : memref<128xi32, #tpu.memory_space<vmem>>, vector<16xi32>,
    tpu.vector_store %arg16[%swap3A_177], %sub3A_176 {strides = array<i32>} : memref<128xi32, #tpu.memory_space<vmem>>, vector<16xi32>,
    %convert_element_type3A_179 = arith.fptosi %get3A_155 : vector<16xf32> to vector<16xi32>
    %convert_element_type3A_180 = arith.sitofp %convert_element_type3A_179 : vector<16xi32> to vector<16xf32>
    %sub3A_181 = arith.subf %get3A_155, %convert_element_type3A_180 : vector<16xf32>
    %swap3A_182 = arith.constant 32 : index
    %swap3A_183 = tpu.vector_load %arg14[%swap3A_182] {strides = array<i32>} : memref<128xf32, #tpu.memory_space<vmem>>, vector<16xf32>,
    tpu.vector_store %arg14[%swap3A_182], %sub3A_181 {strides = array<i32>} : memref<128xf32, #tpu.memory_space<vmem>>, vector<16xf32>,
    %sub3A_184 = arith.subf %get3A_155, %get3A_159 : vector<16xf32>
    %add3A_185 = arith.constant 1.000000e+00 : f32
    %add3A_186 = vector.broadcast %add3A_185 : f32 to vector<16xf32>
    %add3A_187 = arith.addf %sub3A_184, %add3A_186 : vector<16xf32>
    %convert_element_type3A_188 = arith.fptosi %add3A_187 : vector<16xf32> to vector<16xi32>
    %sub3A_189 = arith.constant 1 : i32
    %sub3A_190 = vector.broadcast %sub3A_189 : i32 to vector<16xi32>
    %sub3A_191 = arith.subi %convert_element_type3A_188, %sub3A_190 : vector<16xi32>
    %sub3A_192 = arith.constant 5 : i32
    %sub3A_193 = vector.broadcast %sub3A_192 : i32 to vector<16xi32>
    %sub3A_194 = arith.subi %sub3A_191, %sub3A_193 : vector<16xi32>
    %swap3A_195 = arith.constant 32 : index
    %swap3A_196 = tpu.vector_load %arg17[%swap3A_195] {strides = array<i32>} : memref<128xi32, #tpu.memory_space<vmem>>, vector<16xi32>,
    tpu.vector_store %arg17[%swap3A_195], %sub3A_194 {strides = array<i32>} : memref<128xi32, #tpu.memory_space<vmem>>, vector<16xi32>,
    %convert_element_type3A_197 = arith.sitofp %sub3A_191 : vector<16xi32> to vector<16xf32>
    %sub3A_198 = arith.subf %sub3A_184, %convert_element_type3A_197 : vector<16xf32>
    %swap3A_199 = arith.constant 32 : index
    %swap3A_200 = tpu.vector_load %arg15[%swap3A_199] {strides = array<i32>} : memref<128xf32, #tpu.memory_space<vmem>>, vector<16xf32>,
    tpu.vector_store %arg15[%swap3A_199], %sub3A_198 {strides = array<i32>} : memref<128xf32, #tpu.memory_space<vmem>>, vector<16xf32>,
    %gt3A_201 = arith.constant 1.000000e-01 : f32
    %gt3A_202 = vector.broadcast %gt3A_201 : f32 to vector<16xf32>
    %gt3A_203 = arith.cmpf ogt, %get3A_161, %gt3A_202 : vector<16xf32>
    %gt3A_204 = arith.constant 1.000000e-01 : f32
    %gt3A_205 = vector.broadcast %gt3A_204 : f32 to vector<16xf32>
    %gt3A_206 = arith.cmpf ogt, %get3A_159, %gt3A_205 : vector<16xf32>
    %and3A_207 = arith.andi %gt3A_203, %gt3A_206 : vector<16xi1>
    %jit3A_208 = arith.constant 1.000000e+00 : f32
    %jit3A_209 = arith.constant 0.000000e+00 : f32
    %broadcast_in_dim3A_210 = vector.broadcast %jit3A_208 : f32 to vector<16xf32>
    %broadcast_in_dim3A_211 = vector.broadcast %jit3A_209 : f32 to vector<16xf32>
    %select_n3A_212 = arith.select %and3A_207, %broadcast_in_dim3A_210, %broadcast_in_dim3A_211 : vector<16xi1>, vector<16xf32>
    %swap3A_213 = arith.constant 32 : index
    %swap3A_214 = tpu.vector_load %arg19[%swap3A_213] {strides = array<i32>} : memref<128xf32, #tpu.memory_space<vmem>>, vector<16xf32>,
    tpu.vector_store %arg19[%swap3A_213], %select_n3A_212 {strides = array<i32>} : memref<128xf32, #tpu.memory_space<vmem>>, vector<16xf32>,
    %add3A_215 = arith.addf %add3A_153, %select_n3A_212 : vector<16xf32>
    %get3A_216 = arith.constant 48 : index
    %get3A_217 = tpu.vector_load %arg9[%get3A_216] {strides = array<i32>} : memref<128xf32, #tpu.memory_space<vmem>>, vector<16xf32>,
    %get3A_218 = arith.constant 48 : index
    %get3A_219 = tpu.vector_load %arg10[%get3A_218] {strides = array<i32>} : memref<128xf32, #tpu.memory_space<vmem>>, vector<16xf32>,
    %get3A_220 = arith.constant 48 : index
    %get3A_221 = tpu.vector_load %arg11[%get3A_220] {strides = array<i32>} : memref<128xf32, #tpu.memory_space<vmem>>, vector<16xf32>,
    %get3A_222 = arith.constant 48 : index
    %get3A_223 = tpu.vector_load %arg12[%get3A_222] {strides = array<i32>} : memref<128xf32, #tpu.memory_space<vmem>>, vector<16xf32>,
    %convert_element_type3A_224 = arith.fptosi %get3A_219 : vector<16xf32> to vector<16xi32>
    %sub3A_225 = arith.constant 5 : i32
    %sub3A_226 = vector.broadcast %sub3A_225 : i32 to vector<16xi32>
    %sub3A_227 = arith.subi %convert_element_type3A_224, %sub3A_226 : vector<16xi32>
    %swap3A_228 = arith.constant 48 : index
    %swap3A_229 = tpu.vector_load %arg18[%swap3A_228] {strides = array<i32>} : memref<128xi32, #tpu.memory_space<vmem>>, vector<16xi32>,
    tpu.vector_store %arg18[%swap3A_228], %sub3A_227 {strides = array<i32>} : memref<128xi32, #tpu.memory_space<vmem>>, vector<16xi32>,
    %convert_element_type3A_230 = arith.fptosi %get3A_219 : vector<16xf32> to vector<16xi32>
    %convert_element_type3A_231 = arith.sitofp %convert_element_type3A_230 : vector<16xi32> to vector<16xf32>
    %sub3A_232 = arith.subf %get3A_219, %convert_element_type3A_231 : vector<16xf32>
    %swap3A_233 = arith.constant 48 : index
    %swap3A_234 = tpu.vector_load %arg13[%swap3A_233] {strides = array<i32>} : memref<128xf32, #tpu.memory_space<vmem>>, vector<16xf32>,
    tpu.vector_store %arg13[%swap3A_233], %sub3A_232 {strides = array<i32>} : memref<128xf32, #tpu.memory_space<vmem>>, vector<16xf32>,
    %convert_element_type3A_235 = arith.fptosi %get3A_217 : vector<16xf32> to vector<16xi32>
    %sub3A_236 = arith.constant 5 : i32
    %sub3A_237 = vector.broadcast %sub3A_236 : i32 to vector<16xi32>
    %sub3A_238 = arith.subi %convert_element_type3A_235, %sub3A_237 : vector<16xi32>
    %swap3A_239 = arith.constant 48 : index
    %swap3A_240 = tpu.vector_load %arg16[%swap3A_239] {strides = array<i32>} : memref<128xi32, #tpu.memory_space<vmem>>, vector<16xi32>,
    tpu.vector_store %arg16[%swap3A_239], %sub3A_238 {strides = array<i32>} : memref<128xi32, #tpu.memory_space<vmem>>, vector<16xi32>,
    %convert_element_type3A_241 = arith.fptosi %get3A_217 : vector<16xf32> to vector<16xi32>
    %convert_element_type3A_242 = arith.sitofp %convert_element_type3A_241 : vector<16xi32> to vector<16xf32>
    %sub3A_243 = arith.subf %get3A_217, %convert_element_type3A_242 : vector<16xf32>
    %swap3A_244 = arith.constant 48 : index
    %swap3A_245 = tpu.vector_load %arg14[%swap3A_244] {strides = array<i32>} : memref<128xf32, #tpu.memory_space<vmem>>, vector<16xf32>,
    tpu.vector_store %arg14[%swap3A_244], %sub3A_243 {strides = array<i32>} : memref<128xf32, #tpu.memory_space<vmem>>, vector<16xf32>,
    %sub3A_246 = arith.subf %get3A_217, %get3A_221 : vector<16xf32>
    %add3A_247 = arith.constant 1.000000e+00 : f32
    %add3A_248 = vector.broadcast %add3A_247 : f32 to vector<16xf32>
    %add3A_249 = arith.addf %sub3A_246, %add3A_248 : vector<16xf32>
    %convert_element_type3A_250 = arith.fptosi %add3A_249 : vector<16xf32> to vector<16xi32>
    %sub3A_251 = arith.constant 1 : i32
    %sub3A_252 = vector.broadcast %sub3A_251 : i32 to vector<16xi32>
    %sub3A_253 = arith.subi %convert_element_type3A_250, %sub3A_252 : vector<16xi32>
    %sub3A_254 = arith.constant 5 : i32
    %sub3A_255 = vector.broadcast %sub3A_254 : i32 to vector<16xi32>
    %sub3A_256 = arith.subi %sub3A_253, %sub3A_255 : vector<16xi32>
    %swap3A_257 = arith.constant 48 : index
    %swap3A_258 = tpu.vector_load %arg17[%swap3A_257] {strides = array<i32>} : memref<128xi32, #tpu.memory_space<vmem>>, vector<16xi32>,
    tpu.vector_store %arg17[%swap3A_257], %sub3A_256 {strides = array<i32>} : memref<128xi32, #tpu.memory_space<vmem>>, vector<16xi32>,
    %convert_element_type3A_259 = arith.sitofp %sub3A_253 : vector<16xi32> to vector<16xf32>
    %sub3A_260 = arith.subf %sub3A_246, %convert_element_type3A_259 : vector<16xf32>
    %swap3A_261 = arith.constant 48 : index
    %swap3A_262 = tpu.vector_load %arg15[%swap3A_261] {strides = array<i32>} : memref<128xf32, #tpu.memory_space<vmem>>, vector<16xf32>,
    tpu.vector_store %arg15[%swap3A_261], %sub3A_260 {strides = array<i32>} : memref<128xf32, #tpu.memory_space<vmem>>, vector<16xf32>,
    %gt3A_263 = arith.constant 1.000000e-01 : f32
    %gt3A_264 = vector.broadcast %gt3A_263 : f32 to vector<16xf32>
    %gt3A_265 = arith.cmpf ogt, %get3A_223, %gt3A_264 : vector<16xf32>
    %gt3A_266 = arith.constant 1.000000e-01 : f32
    %gt3A_267 = vector.broadcast %gt3A_266 : f32 to vector<16xf32>
    %gt3A_268 = arith.cmpf ogt, %get3A_221, %gt3A_267 : vector<16xf32>
    %and3A_269 = arith.andi %gt3A_265, %gt3A_268 : vector<16xi1>
    %jit3A_270 = arith.constant 1.000000e+00 : f32
    %jit3A_271 = arith.constant 0.000000e+00 : f32
    %broadcast_in_dim3A_272 = vector.broadcast %jit3A_270 : f32 to vector<16xf32>
    %broadcast_in_dim3A_273 = vector.broadcast %jit3A_271 : f32 to vector<16xf32>
    %select_n3A_274 = arith.select %and3A_269, %broadcast_in_dim3A_272, %broadcast_in_dim3A_273 : vector<16xi1>, vector<16xf32>
    %swap3A_275 = arith.constant 48 : index
    %swap3A_276 = tpu.vector_load %arg19[%swap3A_275] {strides = array<i32>} : memref<128xf32, #tpu.memory_space<vmem>>, vector<16xf32>,
    tpu.vector_store %arg19[%swap3A_275], %select_n3A_274 {strides = array<i32>} : memref<128xf32, #tpu.memory_space<vmem>>, vector<16xf32>,
    %add3A_277 = arith.addf %add3A_215, %select_n3A_274 : vector<16xf32>
    %dma_wait3A = arith.constant 0 : i32
    %dma_wait3A_278 = arith.constant 0 : i32
    %dma_wait3A_279 = tpu.memref_slice %arg2[%dma_wait3A, %dma_wait3A_278] : memref<163840x16xf32, #tpu.memory_space<hbm>> -> memref<163840x16xf32, #tpu.memory_space<hbm>>
    tpu.wait_indirect_dma semaphore(%arg23 : memref<!tpu.dma_semaphore, #tpu.memory_space<semaphore_mem>>) src(%dma_wait3A_279 : memref<163840x16xf32, #tpu.memory_space<hbm>>) dst(%arg20 : memref<16x16xf32, #tpu.memory_space<vmem>>)
    %dma_wait3A_280 = arith.constant 0 : i32
    %dma_wait3A_281 = arith.constant 0 : i32
    %dma_wait3A_282 = tpu.memref_slice %arg3[%dma_wait3A_280, %dma_wait3A_281] : memref<163840x16xf32, #tpu.memory_space<hbm>> -> memref<163840x16xf32, #tpu.memory_space<hbm>>
    tpu.wait_indirect_dma semaphore(%arg23 : memref<!tpu.dma_semaphore, #tpu.memory_space<semaphore_mem>>) src(%dma_wait3A_282 : memref<163840x16xf32, #tpu.memory_space<hbm>>) dst(%arg21 : memref<16x16xf32, #tpu.memory_space<vmem>>)
    %broadcast_in_dim3A_283 = arith.constant 0.000000e+00 : f32
    %broadcast_in_dim3A_284 = vector.broadcast %broadcast_in_dim3A_283 : f32 to vector<16xf32>
    %scan3A = arith.constant 0 : i32
    %scan3A_285 = arith.constant 64 : i32
    %scan3A_286 = arith.addi %scan3A, %scan3A_285 : i32
    %scan3A_287 = arith.constant 1 : i32
    %scan3A_288 = scf.for %scan3A_315 = %scan3A to %scan3A_286 step %scan3A_287 iter_args(%scan3A_316 = %broadcast_in_dim3A_284) -> (vector<16xf32>)  : i32 {
      %broadcast_in_dim3A_317 = vector.broadcast %scan3A_315 : i32 to vector<16xi32>
      %gather3A = tpu.vector_load_idx %arg13[%broadcast_in_dim3A_317] : memref<128xf32, #tpu.memory_space<vmem>>[vector<16xi32>], vector<16xf32>,
      %sub3A_318 = arith.constant 1.000000e+00 : f32
      %sub3A_319 = vector.broadcast %sub3A_318 : f32 to vector<16xf32>
      %sub3A_320 = arith.subf %sub3A_319, %gather3A : vector<16xf32>
      %gather3A_321 = tpu.vector_load_idx %arg18[%broadcast_in_dim3A_317] : memref<128xi32, #tpu.memory_space<vmem>>[vector<16xi32>], vector<16xi32>,
      %add3A_322 = arith.constant 0 : i32
      %add3A_323 = vector.broadcast %add3A_322 : i32 to vector<16xi32>
      %add3A_324 = arith.addi %gather3A_321, %add3A_323 : vector<16xi32>
      %jit3A_325 = arith.constant 0 : i32
      %jit3A_326 = arith.constant 1023 : i32
      %max3A = vector.broadcast %jit3A_325 : i32 to vector<16xi32>
      %max3A_327 = arith.maxsi %max3A, %add3A_324 : vector<16xi32>
      %min3A_328 = vector.broadcast %jit3A_326 : i32 to vector<16xi32>
      %min3A_329 = arith.minsi %min3A_328, %max3A_327 : vector<16xi32>
      %add3A_330 = arith.constant 1 : i32
      %add3A_331 = vector.broadcast %add3A_330 : i32 to vector<16xi32>
      %add3A_332 = arith.addi %gather3A_321, %add3A_331 : vector<16xi32>
      %jit3A_333 = arith.constant 0 : i32
      %jit3A_334 = arith.constant 1023 : i32
      %max3A_335 = vector.broadcast %jit3A_333 : i32 to vector<16xi32>
      %max3A_336 = arith.maxsi %max3A_335, %add3A_332 : vector<16xi32>
      %min3A_337 = vector.broadcast %jit3A_334 : i32 to vector<16xi32>
      %min3A_338 = arith.minsi %min3A_337, %max3A_336 : vector<16xi32>
      %add3A_339 = arith.constant 2 : i32
      %add3A_340 = vector.broadcast %add3A_339 : i32 to vector<16xi32>
      %add3A_341 = arith.addi %gather3A_321, %add3A_340 : vector<16xi32>
      %jit3A_342 = arith.constant 0 : i32
      %jit3A_343 = arith.constant 1023 : i32
      %max3A_344 = vector.broadcast %jit3A_342 : i32 to vector<16xi32>
      %max3A_345 = arith.maxsi %max3A_344, %add3A_341 : vector<16xi32>
      %min3A_346 = vector.broadcast %jit3A_343 : i32 to vector<16xi32>
      %min3A_347 = arith.minsi %min3A_346, %max3A_345 : vector<16xi32>
      %add3A_348 = arith.constant 3 : i32
      %add3A_349 = vector.broadcast %add3A_348 : i32 to vector<16xi32>
      %add3A_350 = arith.addi %gather3A_321, %add3A_349 : vector<16xi32>
      %jit3A_351 = arith.constant 0 : i32
      %jit3A_352 = arith.constant 1023 : i32
      %max3A_353 = vector.broadcast %jit3A_351 : i32 to vector<16xi32>
      %max3A_354 = arith.maxsi %max3A_353, %add3A_350 : vector<16xi32>
      %min3A_355 = vector.broadcast %jit3A_352 : i32 to vector<16xi32>
      %min3A_356 = arith.minsi %min3A_355, %max3A_354 : vector<16xi32>
      %add3A_357 = arith.constant 4 : i32
      %add3A_358 = vector.broadcast %add3A_357 : i32 to vector<16xi32>
      %add3A_359 = arith.addi %gather3A_321, %add3A_358 : vector<16xi32>
      %jit3A_360 = arith.constant 0 : i32
      %jit3A_361 = arith.constant 1023 : i32
      %max3A_362 = vector.broadcast %jit3A_360 : i32 to vector<16xi32>
      %max3A_363 = arith.maxsi %max3A_362, %add3A_359 : vector<16xi32>
      %min3A_364 = vector.broadcast %jit3A_361 : i32 to vector<16xi32>
      %min3A_365 = arith.minsi %min3A_364, %max3A_363 : vector<16xi32>
      %add3A_366 = arith.constant 5 : i32
      %add3A_367 = vector.broadcast %add3A_366 : i32 to vector<16xi32>
      %add3A_368 = arith.addi %gather3A_321, %add3A_367 : vector<16xi32>
      %jit3A_369 = arith.constant 0 : i32
      %jit3A_370 = arith.constant 1023 : i32
      %max3A_371 = vector.broadcast %jit3A_369 : i32 to vector<16xi32>
      %max3A_372 = arith.maxsi %max3A_371, %add3A_368 : vector<16xi32>
      %min3A_373 = vector.broadcast %jit3A_370 : i32 to vector<16xi32>
      %min3A_374 = arith.minsi %min3A_373, %max3A_372 : vector<16xi32>
      %add3A_375 = arith.constant 6 : i32
      %add3A_376 = vector.broadcast %add3A_375 : i32 to vector<16xi32>
      %add3A_377 = arith.addi %gather3A_321, %add3A_376 : vector<16xi32>
      %jit3A_378 = arith.constant 0 : i32
      %jit3A_379 = arith.constant 1023 : i32
      %max3A_380 = vector.broadcast %jit3A_378 : i32 to vector<16xi32>
      %max3A_381 = arith.maxsi %max3A_380, %add3A_377 : vector<16xi32>
      %min3A_382 = vector.broadcast %jit3A_379 : i32 to vector<16xi32>
      %min3A_383 = arith.minsi %min3A_382, %max3A_381 : vector<16xi32>
      %add3A_384 = arith.constant 7 : i32
      %add3A_385 = vector.broadcast %add3A_384 : i32 to vector<16xi32>
      %add3A_386 = arith.addi %gather3A_321, %add3A_385 : vector<16xi32>
      %jit3A_387 = arith.constant 0 : i32
      %jit3A_388 = arith.constant 1023 : i32
      %max3A_389 = vector.broadcast %jit3A_387 : i32 to vector<16xi32>
      %max3A_390 = arith.maxsi %max3A_389, %add3A_386 : vector<16xi32>
      %min3A_391 = vector.broadcast %jit3A_388 : i32 to vector<16xi32>
      %min3A_392 = arith.minsi %min3A_391, %max3A_390 : vector<16xi32>
      %add3A_393 = arith.constant 8 : i32
      %add3A_394 = vector.broadcast %add3A_393 : i32 to vector<16xi32>
      %add3A_395 = arith.addi %gather3A_321, %add3A_394 : vector<16xi32>
      %jit3A_396 = arith.constant 0 : i32
      %jit3A_397 = arith.constant 1023 : i32
      %max3A_398 = vector.broadcast %jit3A_396 : i32 to vector<16xi32>
      %max3A_399 = arith.maxsi %max3A_398, %add3A_395 : vector<16xi32>
      %min3A_400 = vector.broadcast %jit3A_397 : i32 to vector<16xi32>
      %min3A_401 = arith.minsi %min3A_400, %max3A_399 : vector<16xi32>
      %add3A_402 = arith.constant 9 : i32
      %add3A_403 = vector.broadcast %add3A_402 : i32 to vector<16xi32>
      %add3A_404 = arith.addi %gather3A_321, %add3A_403 : vector<16xi32>
      %jit3A_405 = arith.constant 0 : i32
      %jit3A_406 = arith.constant 1023 : i32
      %max3A_407 = vector.broadcast %jit3A_405 : i32 to vector<16xi32>
      %max3A_408 = arith.maxsi %max3A_407, %add3A_404 : vector<16xi32>
      %min3A_409 = vector.broadcast %jit3A_406 : i32 to vector<16xi32>
      %min3A_410 = arith.minsi %min3A_409, %max3A_408 : vector<16xi32>
      %add3A_411 = arith.constant 10 : i32
      %add3A_412 = vector.broadcast %add3A_411 : i32 to vector<16xi32>
      %add3A_413 = arith.addi %gather3A_321, %add3A_412 : vector<16xi32>
      %jit3A_414 = arith.constant 0 : i32
      %jit3A_415 = arith.constant 1023 : i32
      %max3A_416 = vector.broadcast %jit3A_414 : i32 to vector<16xi32>
      %max3A_417 = arith.maxsi %max3A_416, %add3A_413 : vector<16xi32>
      %min3A_418 = vector.broadcast %jit3A_415 : i32 to vector<16xi32>
      %min3A_419 = arith.minsi %min3A_418, %max3A_417 : vector<16xi32>
      %add3A_420 = arith.constant 11 : i32
      %add3A_421 = vector.broadcast %add3A_420 : i32 to vector<16xi32>
      %add3A_422 = arith.addi %gather3A_321, %add3A_421 : vector<16xi32>
      %jit3A_423 = arith.constant 0 : i32
      %jit3A_424 = arith.constant 1023 : i32
      %max3A_425 = vector.broadcast %jit3A_423 : i32 to vector<16xi32>
      %max3A_426 = arith.maxsi %max3A_425, %add3A_422 : vector<16xi32>
      %min3A_427 = vector.broadcast %jit3A_424 : i32 to vector<16xi32>
      %min3A_428 = arith.minsi %min3A_427, %max3A_426 : vector<16xi32>
      %gather3A_429 = tpu.vector_load_idx %arg16[%broadcast_in_dim3A_317] : memref<128xi32, #tpu.memory_space<vmem>>[vector<16xi32>], vector<16xi32>,
      %gather3A_430 = tpu.vector_load_idx %arg14[%broadcast_in_dim3A_317] : memref<128xf32, #tpu.memory_space<vmem>>[vector<16xi32>], vector<16xf32>,
      %add3A_431 = arith.addi %gather3A_429, %iota3A : vector<16xi32>
      %jit3A_432 = arith.constant 0 : i32
      %jit3A_433 = arith.constant 1279 : i32
      %max3A_434 = vector.broadcast %jit3A_432 : i32 to vector<16xi32>
      %max3A_435 = arith.maxsi %max3A_434, %add3A_431 : vector<16xi32>
      %min3A_436 = vector.broadcast %jit3A_433 : i32 to vector<16xi32>
      %min3A_437 = arith.minsi %min3A_436, %max3A_435 : vector<16xi32>
      %add3A_438 = arith.addi %gather3A_429, %iota3A : vector<16xi32>
      %add3A_439 = arith.constant 1 : i32
      %add3A_440 = vector.broadcast %add3A_439 : i32 to vector<16xi32>
      %add3A_441 = arith.addi %add3A_438, %add3A_440 : vector<16xi32>
      %jit3A_442 = arith.constant 0 : i32
      %jit3A_443 = arith.constant 1279 : i32
      %max3A_444 = vector.broadcast %jit3A_442 : i32 to vector<16xi32>
      %max3A_445 = arith.maxsi %max3A_444, %add3A_441 : vector<16xi32>
      %min3A_446 = vector.broadcast %jit3A_443 : i32 to vector<16xi32>
      %min3A_447 = arith.minsi %min3A_446, %max3A_445 : vector<16xi32>
      %gather3A_448 = tpu.vector_load_idx %arg20[%min3A_329, %min3A_437] : memref<16x16xf32, #tpu.memory_space<vmem>>[vector<16xi32>, vector<16xi32>], vector<16xf32>,
      %gather3A_449 = tpu.vector_load_idx %arg20[%min3A_329, %min3A_447] : memref<16x16xf32, #tpu.memory_space<vmem>>[vector<16xi32>, vector<16xi32>], vector<16xf32>,
      %gather3A_450 = tpu.vector_load_idx %arg20[%min3A_338, %min3A_437] : memref<16x16xf32, #tpu.memory_space<vmem>>[vector<16xi32>, vector<16xi32>], vector<16xf32>,
      %gather3A_451 = tpu.vector_load_idx %arg20[%min3A_338, %min3A_447] : memref<16x16xf32, #tpu.memory_space<vmem>>[vector<16xi32>, vector<16xi32>], vector<16xf32>,
      %gather3A_452 = tpu.vector_load_idx %arg20[%min3A_347, %min3A_437] : memref<16x16xf32, #tpu.memory_space<vmem>>[vector<16xi32>, vector<16xi32>], vector<16xf32>,
      %gather3A_453 = tpu.vector_load_idx %arg20[%min3A_347, %min3A_447] : memref<16x16xf32, #tpu.memory_space<vmem>>[vector<16xi32>, vector<16xi32>], vector<16xf32>,
      %gather3A_454 = tpu.vector_load_idx %arg20[%min3A_356, %min3A_437] : memref<16x16xf32, #tpu.memory_space<vmem>>[vector<16xi32>, vector<16xi32>], vector<16xf32>,
      %gather3A_455 = tpu.vector_load_idx %arg20[%min3A_356, %min3A_447] : memref<16x16xf32, #tpu.memory_space<vmem>>[vector<16xi32>, vector<16xi32>], vector<16xf32>,
      %gather3A_456 = tpu.vector_load_idx %arg20[%min3A_365, %min3A_437] : memref<16x16xf32, #tpu.memory_space<vmem>>[vector<16xi32>, vector<16xi32>], vector<16xf32>,
      %gather3A_457 = tpu.vector_load_idx %arg20[%min3A_365, %min3A_447] : memref<16x16xf32, #tpu.memory_space<vmem>>[vector<16xi32>, vector<16xi32>], vector<16xf32>,
      %gather3A_458 = tpu.vector_load_idx %arg20[%min3A_374, %min3A_437] : memref<16x16xf32, #tpu.memory_space<vmem>>[vector<16xi32>, vector<16xi32>], vector<16xf32>,
      %gather3A_459 = tpu.vector_load_idx %arg20[%min3A_374, %min3A_447] : memref<16x16xf32, #tpu.memory_space<vmem>>[vector<16xi32>, vector<16xi32>], vector<16xf32>,
      %gather3A_460 = tpu.vector_load_idx %arg20[%min3A_383, %min3A_437] : memref<16x16xf32, #tpu.memory_space<vmem>>[vector<16xi32>, vector<16xi32>], vector<16xf32>,
      %gather3A_461 = tpu.vector_load_idx %arg20[%min3A_383, %min3A_447] : memref<16x16xf32, #tpu.memory_space<vmem>>[vector<16xi32>, vector<16xi32>], vector<16xf32>,
      %gather3A_462 = tpu.vector_load_idx %arg20[%min3A_392, %min3A_437] : memref<16x16xf32, #tpu.memory_space<vmem>>[vector<16xi32>, vector<16xi32>], vector<16xf32>,
      %gather3A_463 = tpu.vector_load_idx %arg20[%min3A_392, %min3A_447] : memref<16x16xf32, #tpu.memory_space<vmem>>[vector<16xi32>, vector<16xi32>], vector<16xf32>,
      %gather3A_464 = tpu.vector_load_idx %arg20[%min3A_401, %min3A_437] : memref<16x16xf32, #tpu.memory_space<vmem>>[vector<16xi32>, vector<16xi32>], vector<16xf32>,
      %gather3A_465 = tpu.vector_load_idx %arg20[%min3A_401, %min3A_447] : memref<16x16xf32, #tpu.memory_space<vmem>>[vector<16xi32>, vector<16xi32>], vector<16xf32>,
      %gather3A_466 = tpu.vector_load_idx %arg20[%min3A_410, %min3A_437] : memref<16x16xf32, #tpu.memory_space<vmem>>[vector<16xi32>, vector<16xi32>], vector<16xf32>,
      %gather3A_467 = tpu.vector_load_idx %arg20[%min3A_410, %min3A_447] : memref<16x16xf32, #tpu.memory_space<vmem>>[vector<16xi32>, vector<16xi32>], vector<16xf32>,
      %gather3A_468 = tpu.vector_load_idx %arg20[%min3A_419, %min3A_437] : memref<16x16xf32, #tpu.memory_space<vmem>>[vector<16xi32>, vector<16xi32>], vector<16xf32>,
      %gather3A_469 = tpu.vector_load_idx %arg20[%min3A_419, %min3A_447] : memref<16x16xf32, #tpu.memory_space<vmem>>[vector<16xi32>, vector<16xi32>], vector<16xf32>,
      %gather3A_470 = tpu.vector_load_idx %arg20[%min3A_428, %min3A_437] : memref<16x16xf32, #tpu.memory_space<vmem>>[vector<16xi32>, vector<16xi32>], vector<16xf32>,
      %gather3A_471 = tpu.vector_load_idx %arg20[%min3A_428, %min3A_447] : memref<16x16xf32, #tpu.memory_space<vmem>>[vector<16xi32>, vector<16xi32>], vector<16xf32>,
      %sub3A_472 = arith.constant 1.000000e+00 : f32
      %sub3A_473 = vector.broadcast %sub3A_472 : f32 to vector<16xf32>
      %sub3A_474 = arith.subf %sub3A_473, %gather3A_430 : vector<16xf32>
      %mul3A_475 = arith.mulf %sub3A_320, %gather3A_448 : vector<16xf32>
      %mul3A_476 = arith.mulf %gather3A, %gather3A_450 : vector<16xf32>
      %add3A_477 = arith.addf %mul3A_475, %mul3A_476 : vector<16xf32>
      %mul3A_478 = arith.mulf %sub3A_320, %gather3A_449 : vector<16xf32>
      %mul3A_479 = arith.mulf %gather3A, %gather3A_451 : vector<16xf32>
      %add3A_480 = arith.addf %mul3A_478, %mul3A_479 : vector<16xf32>
      %mul3A_481 = arith.mulf %sub3A_474, %add3A_477 : vector<16xf32>
      %mul3A_482 = arith.mulf %gather3A_430, %add3A_480 : vector<16xf32>
      %add3A_483 = arith.addf %mul3A_481, %mul3A_482 : vector<16xf32>
      %mul3A_484 = arith.mulf %sub3A_320, %gather3A_450 : vector<16xf32>
      %mul3A_485 = arith.mulf %gather3A, %gather3A_452 : vector<16xf32>
      %add3A_486 = arith.addf %mul3A_484, %mul3A_485 : vector<16xf32>
      %mul3A_487 = arith.mulf %sub3A_320, %gather3A_451 : vector<16xf32>
      %mul3A_488 = arith.mulf %gather3A, %gather3A_453 : vector<16xf32>
      %add3A_489 = arith.addf %mul3A_487, %mul3A_488 : vector<16xf32>
      %mul3A_490 = arith.mulf %sub3A_474, %add3A_486 : vector<16xf32>
      %mul3A_491 = arith.mulf %gather3A_430, %add3A_489 : vector<16xf32>
      %add3A_492 = arith.addf %mul3A_490, %mul3A_491 : vector<16xf32>
      %mul3A_493 = arith.mulf %sub3A_320, %gather3A_452 : vector<16xf32>
      %mul3A_494 = arith.mulf %gather3A, %gather3A_454 : vector<16xf32>
      %add3A_495 = arith.addf %mul3A_493, %mul3A_494 : vector<16xf32>
      %mul3A_496 = arith.mulf %sub3A_320, %gather3A_453 : vector<16xf32>
      %mul3A_497 = arith.mulf %gather3A, %gather3A_455 : vector<16xf32>
      %add3A_498 = arith.addf %mul3A_496, %mul3A_497 : vector<16xf32>
      %mul3A_499 = arith.mulf %sub3A_474, %add3A_495 : vector<16xf32>
      %mul3A_500 = arith.mulf %gather3A_430, %add3A_498 : vector<16xf32>
      %add3A_501 = arith.addf %mul3A_499, %mul3A_500 : vector<16xf32>
      %mul3A_502 = arith.mulf %sub3A_320, %gather3A_454 : vector<16xf32>
      %mul3A_503 = arith.mulf %gather3A, %gather3A_456 : vector<16xf32>
      %add3A_504 = arith.addf %mul3A_502, %mul3A_503 : vector<16xf32>
      %mul3A_505 = arith.mulf %sub3A_320, %gather3A_455 : vector<16xf32>
      %mul3A_506 = arith.mulf %gather3A, %gather3A_457 : vector<16xf32>
      %add3A_507 = arith.addf %mul3A_505, %mul3A_506 : vector<16xf32>
      %mul3A_508 = arith.mulf %sub3A_474, %add3A_504 : vector<16xf32>
      %mul3A_509 = arith.mulf %gather3A_430, %add3A_507 : vector<16xf32>
      %add3A_510 = arith.addf %mul3A_508, %mul3A_509 : vector<16xf32>
      %mul3A_511 = arith.mulf %sub3A_320, %gather3A_456 : vector<16xf32>
      %mul3A_512 = arith.mulf %gather3A, %gather3A_458 : vector<16xf32>
      %add3A_513 = arith.addf %mul3A_511, %mul3A_512 : vector<16xf32>
      %mul3A_514 = arith.mulf %sub3A_320, %gather3A_457 : vector<16xf32>
      %mul3A_515 = arith.mulf %gather3A, %gather3A_459 : vector<16xf32>
      %add3A_516 = arith.addf %mul3A_514, %mul3A_515 : vector<16xf32>
      %mul3A_517 = arith.mulf %sub3A_474, %add3A_513 : vector<16xf32>
      %mul3A_518 = arith.mulf %gather3A_430, %add3A_516 : vector<16xf32>
      %add3A_519 = arith.addf %mul3A_517, %mul3A_518 : vector<16xf32>
      %mul3A_520 = arith.mulf %sub3A_320, %gather3A_458 : vector<16xf32>
      %mul3A_521 = arith.mulf %gather3A, %gather3A_460 : vector<16xf32>
      %add3A_522 = arith.addf %mul3A_520, %mul3A_521 : vector<16xf32>
      %mul3A_523 = arith.mulf %sub3A_320, %gather3A_459 : vector<16xf32>
      %mul3A_524 = arith.mulf %gather3A, %gather3A_461 : vector<16xf32>
      %add3A_525 = arith.addf %mul3A_523, %mul3A_524 : vector<16xf32>
      %mul3A_526 = arith.mulf %sub3A_474, %add3A_522 : vector<16xf32>
      %mul3A_527 = arith.mulf %gather3A_430, %add3A_525 : vector<16xf32>
      %add3A_528 = arith.addf %mul3A_526, %mul3A_527 : vector<16xf32>
      %mul3A_529 = arith.mulf %sub3A_320, %gather3A_460 : vector<16xf32>
      %mul3A_530 = arith.mulf %gather3A, %gather3A_462 : vector<16xf32>
      %add3A_531 = arith.addf %mul3A_529, %mul3A_530 : vector<16xf32>
      %mul3A_532 = arith.mulf %sub3A_320, %gather3A_461 : vector<16xf32>
      %mul3A_533 = arith.mulf %gather3A, %gather3A_463 : vector<16xf32>
      %add3A_534 = arith.addf %mul3A_532, %mul3A_533 : vector<16xf32>
      %mul3A_535 = arith.mulf %sub3A_474, %add3A_531 : vector<16xf32>
      %mul3A_536 = arith.mulf %gather3A_430, %add3A_534 : vector<16xf32>
      %add3A_537 = arith.addf %mul3A_535, %mul3A_536 : vector<16xf32>
      %mul3A_538 = arith.mulf %sub3A_320, %gather3A_462 : vector<16xf32>
      %mul3A_539 = arith.mulf %gather3A, %gather3A_464 : vector<16xf32>
      %add3A_540 = arith.addf %mul3A_538, %mul3A_539 : vector<16xf32>
      %mul3A_541 = arith.mulf %sub3A_320, %gather3A_463 : vector<16xf32>
      %mul3A_542 = arith.mulf %gather3A, %gather3A_465 : vector<16xf32>
      %add3A_543 = arith.addf %mul3A_541, %mul3A_542 : vector<16xf32>
      %mul3A_544 = arith.mulf %sub3A_474, %add3A_540 : vector<16xf32>
      %mul3A_545 = arith.mulf %gather3A_430, %add3A_543 : vector<16xf32>
      %add3A_546 = arith.addf %mul3A_544, %mul3A_545 : vector<16xf32>
      %mul3A_547 = arith.mulf %sub3A_320, %gather3A_464 : vector<16xf32>
      %mul3A_548 = arith.mulf %gather3A, %gather3A_466 : vector<16xf32>
      %add3A_549 = arith.addf %mul3A_547, %mul3A_548 : vector<16xf32>
      %mul3A_550 = arith.mulf %sub3A_320, %gather3A_465 : vector<16xf32>
      %mul3A_551 = arith.mulf %gather3A, %gather3A_467 : vector<16xf32>
      %add3A_552 = arith.addf %mul3A_550, %mul3A_551 : vector<16xf32>
      %mul3A_553 = arith.mulf %sub3A_474, %add3A_549 : vector<16xf32>
      %mul3A_554 = arith.mulf %gather3A_430, %add3A_552 : vector<16xf32>
      %add3A_555 = arith.addf %mul3A_553, %mul3A_554 : vector<16xf32>
      %mul3A_556 = arith.mulf %sub3A_320, %gather3A_466 : vector<16xf32>
      %mul3A_557 = arith.mulf %gather3A, %gather3A_468 : vector<16xf32>
      %add3A_558 = arith.addf %mul3A_556, %mul3A_557 : vector<16xf32>
      %mul3A_559 = arith.mulf %sub3A_320, %gather3A_467 : vector<16xf32>
      %mul3A_560 = arith.mulf %gather3A, %gather3A_469 : vector<16xf32>
      %add3A_561 = arith.addf %mul3A_559, %mul3A_560 : vector<16xf32>
      %mul3A_562 = arith.mulf %sub3A_474, %add3A_558 : vector<16xf32>
      %mul3A_563 = arith.mulf %gather3A_430, %add3A_561 : vector<16xf32>
      %add3A_564 = arith.addf %mul3A_562, %mul3A_563 : vector<16xf32>
      %mul3A_565 = arith.mulf %sub3A_320, %gather3A_468 : vector<16xf32>
      %mul3A_566 = arith.mulf %gather3A, %gather3A_470 : vector<16xf32>
      %add3A_567 = arith.addf %mul3A_565, %mul3A_566 : vector<16xf32>
      %mul3A_568 = arith.mulf %sub3A_320, %gather3A_469 : vector<16xf32>
      %mul3A_569 = arith.mulf %gather3A, %gather3A_471 : vector<16xf32>
      %add3A_570 = arith.addf %mul3A_568, %mul3A_569 : vector<16xf32>
      %mul3A_571 = arith.mulf %sub3A_474, %add3A_567 : vector<16xf32>
      %mul3A_572 = arith.mulf %gather3A_430, %add3A_570 : vector<16xf32>
      %add3A_573 = arith.addf %mul3A_571, %mul3A_572 : vector<16xf32>
      %gather3A_574 = tpu.vector_load_idx %arg17[%broadcast_in_dim3A_317] : memref<128xi32, #tpu.memory_space<vmem>>[vector<16xi32>], vector<16xi32>,
      %gather3A_575 = tpu.vector_load_idx %arg15[%broadcast_in_dim3A_317] : memref<128xf32, #tpu.memory_space<vmem>>[vector<16xi32>], vector<16xf32>,
      %add3A_576 = arith.addi %gather3A_574, %iota3A : vector<16xi32>
      %jit3A_577 = arith.constant 0 : i32
      %jit3A_578 = arith.constant 1279 : i32
      %max3A_579 = vector.broadcast %jit3A_577 : i32 to vector<16xi32>
      %max3A_580 = arith.maxsi %max3A_579, %add3A_576 : vector<16xi32>
      %min3A_581 = vector.broadcast %jit3A_578 : i32 to vector<16xi32>
      %min3A_582 = arith.minsi %min3A_581, %max3A_580 : vector<16xi32>
      %add3A_583 = arith.addi %gather3A_574, %iota3A : vector<16xi32>
      %add3A_584 = arith.constant 1 : i32
      %add3A_585 = vector.broadcast %add3A_584 : i32 to vector<16xi32>
      %add3A_586 = arith.addi %add3A_583, %add3A_585 : vector<16xi32>
      %jit3A_587 = arith.constant 0 : i32
      %jit3A_588 = arith.constant 1279 : i32
      %max3A_589 = vector.broadcast %jit3A_587 : i32 to vector<16xi32>
      %max3A_590 = arith.maxsi %max3A_589, %add3A_586 : vector<16xi32>
      %min3A_591 = vector.broadcast %jit3A_588 : i32 to vector<16xi32>
      %min3A_592 = arith.minsi %min3A_591, %max3A_590 : vector<16xi32>
      %gather3A_593 = tpu.vector_load_idx %arg21[%min3A_329, %min3A_582] : memref<16x16xf32, #tpu.memory_space<vmem>>[vector<16xi32>, vector<16xi32>], vector<16xf32>,
      %gather3A_594 = tpu.vector_load_idx %arg21[%min3A_329, %min3A_592] : memref<16x16xf32, #tpu.memory_space<vmem>>[vector<16xi32>, vector<16xi32>], vector<16xf32>,
      %gather3A_595 = tpu.vector_load_idx %arg21[%min3A_338, %min3A_582] : memref<16x16xf32, #tpu.memory_space<vmem>>[vector<16xi32>, vector<16xi32>], vector<16xf32>,
      %gather3A_596 = tpu.vector_load_idx %arg21[%min3A_338, %min3A_592] : memref<16x16xf32, #tpu.memory_space<vmem>>[vector<16xi32>, vector<16xi32>], vector<16xf32>,
      %gather3A_597 = tpu.vector_load_idx %arg21[%min3A_347, %min3A_582] : memref<16x16xf32, #tpu.memory_space<vmem>>[vector<16xi32>, vector<16xi32>], vector<16xf32>,
      %gather3A_598 = tpu.vector_load_idx %arg21[%min3A_347, %min3A_592] : memref<16x16xf32, #tpu.memory_space<vmem>>[vector<16xi32>, vector<16xi32>], vector<16xf32>,
      %gather3A_599 = tpu.vector_load_idx %arg21[%min3A_356, %min3A_582] : memref<16x16xf32, #tpu.memory_space<vmem>>[vector<16xi32>, vector<16xi32>], vector<16xf32>,
      %gather3A_600 = tpu.vector_load_idx %arg21[%min3A_356, %min3A_592] : memref<16x16xf32, #tpu.memory_space<vmem>>[vector<16xi32>, vector<16xi32>], vector<16xf32>,
      %gather3A_601 = tpu.vector_load_idx %arg21[%min3A_365, %min3A_582] : memref<16x16xf32, #tpu.memory_space<vmem>>[vector<16xi32>, vector<16xi32>], vector<16xf32>,
      %gather3A_602 = tpu.vector_load_idx %arg21[%min3A_365, %min3A_592] : memref<16x16xf32, #tpu.memory_space<vmem>>[vector<16xi32>, vector<16xi32>], vector<16xf32>,
      %gather3A_603 = tpu.vector_load_idx %arg21[%min3A_374, %min3A_582] : memref<16x16xf32, #tpu.memory_space<vmem>>[vector<16xi32>, vector<16xi32>], vector<16xf32>,
      %gather3A_604 = tpu.vector_load_idx %arg21[%min3A_374, %min3A_592] : memref<16x16xf32, #tpu.memory_space<vmem>>[vector<16xi32>, vector<16xi32>], vector<16xf32>,
      %gather3A_605 = tpu.vector_load_idx %arg21[%min3A_383, %min3A_582] : memref<16x16xf32, #tpu.memory_space<vmem>>[vector<16xi32>, vector<16xi32>], vector<16xf32>,
      %gather3A_606 = tpu.vector_load_idx %arg21[%min3A_383, %min3A_592] : memref<16x16xf32, #tpu.memory_space<vmem>>[vector<16xi32>, vector<16xi32>], vector<16xf32>,
      %gather3A_607 = tpu.vector_load_idx %arg21[%min3A_392, %min3A_582] : memref<16x16xf32, #tpu.memory_space<vmem>>[vector<16xi32>, vector<16xi32>], vector<16xf32>,
      %gather3A_608 = tpu.vector_load_idx %arg21[%min3A_392, %min3A_592] : memref<16x16xf32, #tpu.memory_space<vmem>>[vector<16xi32>, vector<16xi32>], vector<16xf32>,
      %gather3A_609 = tpu.vector_load_idx %arg21[%min3A_401, %min3A_582] : memref<16x16xf32, #tpu.memory_space<vmem>>[vector<16xi32>, vector<16xi32>], vector<16xf32>,
      %gather3A_610 = tpu.vector_load_idx %arg21[%min3A_401, %min3A_592] : memref<16x16xf32, #tpu.memory_space<vmem>>[vector<16xi32>, vector<16xi32>], vector<16xf32>,
      %gather3A_611 = tpu.vector_load_idx %arg21[%min3A_410, %min3A_582] : memref<16x16xf32, #tpu.memory_space<vmem>>[vector<16xi32>, vector<16xi32>], vector<16xf32>,
      %gather3A_612 = tpu.vector_load_idx %arg21[%min3A_410, %min3A_592] : memref<16x16xf32, #tpu.memory_space<vmem>>[vector<16xi32>, vector<16xi32>], vector<16xf32>,
      %gather3A_613 = tpu.vector_load_idx %arg21[%min3A_419, %min3A_582] : memref<16x16xf32, #tpu.memory_space<vmem>>[vector<16xi32>, vector<16xi32>], vector<16xf32>,
      %gather3A_614 = tpu.vector_load_idx %arg21[%min3A_419, %min3A_592] : memref<16x16xf32, #tpu.memory_space<vmem>>[vector<16xi32>, vector<16xi32>], vector<16xf32>,
      %gather3A_615 = tpu.vector_load_idx %arg21[%min3A_428, %min3A_582] : memref<16x16xf32, #tpu.memory_space<vmem>>[vector<16xi32>, vector<16xi32>], vector<16xf32>,
      %gather3A_616 = tpu.vector_load_idx %arg21[%min3A_428, %min3A_592] : memref<16x16xf32, #tpu.memory_space<vmem>>[vector<16xi32>, vector<16xi32>], vector<16xf32>,
      %sub3A_617 = arith.constant 1.000000e+00 : f32
      %sub3A_618 = vector.broadcast %sub3A_617 : f32 to vector<16xf32>
      %sub3A_619 = arith.subf %sub3A_618, %gather3A_575 : vector<16xf32>
      %mul3A_620 = arith.mulf %sub3A_320, %gather3A_593 : vector<16xf32>
      %mul3A_621 = arith.mulf %gather3A, %gather3A_595 : vector<16xf32>
      %add3A_622 = arith.addf %mul3A_620, %mul3A_621 : vector<16xf32>
      %mul3A_623 = arith.mulf %sub3A_320, %gather3A_594 : vector<16xf32>
      %mul3A_624 = arith.mulf %gather3A, %gather3A_596 : vector<16xf32>
      %add3A_625 = arith.addf %mul3A_623, %mul3A_624 : vector<16xf32>
      %mul3A_626 = arith.mulf %sub3A_619, %add3A_622 : vector<16xf32>
      %mul3A_627 = arith.mulf %gather3A_575, %add3A_625 : vector<16xf32>
      %add3A_628 = arith.addf %mul3A_626, %mul3A_627 : vector<16xf32>
      %mul3A_629 = arith.mulf %sub3A_320, %gather3A_595 : vector<16xf32>
      %mul3A_630 = arith.mulf %gather3A, %gather3A_597 : vector<16xf32>
      %add3A_631 = arith.addf %mul3A_629, %mul3A_630 : vector<16xf32>
      %mul3A_632 = arith.mulf %sub3A_320, %gather3A_596 : vector<16xf32>
      %mul3A_633 = arith.mulf %gather3A, %gather3A_598 : vector<16xf32>
      %add3A_634 = arith.addf %mul3A_632, %mul3A_633 : vector<16xf32>
      %mul3A_635 = arith.mulf %sub3A_619, %add3A_631 : vector<16xf32>
      %mul3A_636 = arith.mulf %gather3A_575, %add3A_634 : vector<16xf32>
      %add3A_637 = arith.addf %mul3A_635, %mul3A_636 : vector<16xf32>
      %mul3A_638 = arith.mulf %sub3A_320, %gather3A_597 : vector<16xf32>
      %mul3A_639 = arith.mulf %gather3A, %gather3A_599 : vector<16xf32>
      %add3A_640 = arith.addf %mul3A_638, %mul3A_639 : vector<16xf32>
      %mul3A_641 = arith.mulf %sub3A_320, %gather3A_598 : vector<16xf32>
      %mul3A_642 = arith.mulf %gather3A, %gather3A_600 : vector<16xf32>
      %add3A_643 = arith.addf %mul3A_641, %mul3A_642 : vector<16xf32>
      %mul3A_644 = arith.mulf %sub3A_619, %add3A_640 : vector<16xf32>
      %mul3A_645 = arith.mulf %gather3A_575, %add3A_643 : vector<16xf32>
      %add3A_646 = arith.addf %mul3A_644, %mul3A_645 : vector<16xf32>
      %mul3A_647 = arith.mulf %sub3A_320, %gather3A_599 : vector<16xf32>
      %mul3A_648 = arith.mulf %gather3A, %gather3A_601 : vector<16xf32>
      %add3A_649 = arith.addf %mul3A_647, %mul3A_648 : vector<16xf32>
      %mul3A_650 = arith.mulf %sub3A_320, %gather3A_600 : vector<16xf32>
      %mul3A_651 = arith.mulf %gather3A, %gather3A_602 : vector<16xf32>
      %add3A_652 = arith.addf %mul3A_650, %mul3A_651 : vector<16xf32>
      %mul3A_653 = arith.mulf %sub3A_619, %add3A_649 : vector<16xf32>
      %mul3A_654 = arith.mulf %gather3A_575, %add3A_652 : vector<16xf32>
      %add3A_655 = arith.addf %mul3A_653, %mul3A_654 : vector<16xf32>
      %mul3A_656 = arith.mulf %sub3A_320, %gather3A_601 : vector<16xf32>
      %mul3A_657 = arith.mulf %gather3A, %gather3A_603 : vector<16xf32>
      %add3A_658 = arith.addf %mul3A_656, %mul3A_657 : vector<16xf32>
      %mul3A_659 = arith.mulf %sub3A_320, %gather3A_602 : vector<16xf32>
      %mul3A_660 = arith.mulf %gather3A, %gather3A_604 : vector<16xf32>
      %add3A_661 = arith.addf %mul3A_659, %mul3A_660 : vector<16xf32>
      %mul3A_662 = arith.mulf %sub3A_619, %add3A_658 : vector<16xf32>
      %mul3A_663 = arith.mulf %gather3A_575, %add3A_661 : vector<16xf32>
      %add3A_664 = arith.addf %mul3A_662, %mul3A_663 : vector<16xf32>
      %mul3A_665 = arith.mulf %sub3A_320, %gather3A_603 : vector<16xf32>
      %mul3A_666 = arith.mulf %gather3A, %gather3A_605 : vector<16xf32>
      %add3A_667 = arith.addf %mul3A_665, %mul3A_666 : vector<16xf32>
      %mul3A_668 = arith.mulf %sub3A_320, %gather3A_604 : vector<16xf32>
      %mul3A_669 = arith.mulf %gather3A, %gather3A_606 : vector<16xf32>
      %add3A_670 = arith.addf %mul3A_668, %mul3A_669 : vector<16xf32>
      %mul3A_671 = arith.mulf %sub3A_619, %add3A_667 : vector<16xf32>
      %mul3A_672 = arith.mulf %gather3A_575, %add3A_670 : vector<16xf32>
      %add3A_673 = arith.addf %mul3A_671, %mul3A_672 : vector<16xf32>
      %mul3A_674 = arith.mulf %sub3A_320, %gather3A_605 : vector<16xf32>
      %mul3A_675 = arith.mulf %gather3A, %gather3A_607 : vector<16xf32>
      %add3A_676 = arith.addf %mul3A_674, %mul3A_675 : vector<16xf32>
      %mul3A_677 = arith.mulf %sub3A_320, %gather3A_606 : vector<16xf32>
      %mul3A_678 = arith.mulf %gather3A, %gather3A_608 : vector<16xf32>
      %add3A_679 = arith.addf %mul3A_677, %mul3A_678 : vector<16xf32>
      %mul3A_680 = arith.mulf %sub3A_619, %add3A_676 : vector<16xf32>
      %mul3A_681 = arith.mulf %gather3A_575, %add3A_679 : vector<16xf32>
      %add3A_682 = arith.addf %mul3A_680, %mul3A_681 : vector<16xf32>
      %mul3A_683 = arith.mulf %sub3A_320, %gather3A_607 : vector<16xf32>
      %mul3A_684 = arith.mulf %gather3A, %gather3A_609 : vector<16xf32>
      %add3A_685 = arith.addf %mul3A_683, %mul3A_684 : vector<16xf32>
      %mul3A_686 = arith.mulf %sub3A_320, %gather3A_608 : vector<16xf32>
      %mul3A_687 = arith.mulf %gather3A, %gather3A_610 : vector<16xf32>
      %add3A_688 = arith.addf %mul3A_686, %mul3A_687 : vector<16xf32>
      %mul3A_689 = arith.mulf %sub3A_619, %add3A_685 : vector<16xf32>
      %mul3A_690 = arith.mulf %gather3A_575, %add3A_688 : vector<16xf32>
      %add3A_691 = arith.addf %mul3A_689, %mul3A_690 : vector<16xf32>
      %mul3A_692 = arith.mulf %sub3A_320, %gather3A_609 : vector<16xf32>
      %mul3A_693 = arith.mulf %gather3A, %gather3A_611 : vector<16xf32>
      %add3A_694 = arith.addf %mul3A_692, %mul3A_693 : vector<16xf32>
      %mul3A_695 = arith.mulf %sub3A_320, %gather3A_610 : vector<16xf32>
      %mul3A_696 = arith.mulf %gather3A, %gather3A_612 : vector<16xf32>
      %add3A_697 = arith.addf %mul3A_695, %mul3A_696 : vector<16xf32>
      %mul3A_698 = arith.mulf %sub3A_619, %add3A_694 : vector<16xf32>
      %mul3A_699 = arith.mulf %gather3A_575, %add3A_697 : vector<16xf32>
      %add3A_700 = arith.addf %mul3A_698, %mul3A_699 : vector<16xf32>
      %mul3A_701 = arith.mulf %sub3A_320, %gather3A_611 : vector<16xf32>
      %mul3A_702 = arith.mulf %gather3A, %gather3A_613 : vector<16xf32>
      %add3A_703 = arith.addf %mul3A_701, %mul3A_702 : vector<16xf32>
      %mul3A_704 = arith.mulf %sub3A_320, %gather3A_612 : vector<16xf32>
      %mul3A_705 = arith.mulf %gather3A, %gather3A_614 : vector<16xf32>
      %add3A_706 = arith.addf %mul3A_704, %mul3A_705 : vector<16xf32>
      %mul3A_707 = arith.mulf %sub3A_619, %add3A_703 : vector<16xf32>
      %mul3A_708 = arith.mulf %gather3A_575, %add3A_706 : vector<16xf32>
      %add3A_709 = arith.addf %mul3A_707, %mul3A_708 : vector<16xf32>
      %mul3A_710 = arith.mulf %sub3A_320, %gather3A_613 : vector<16xf32>
      %mul3A_711 = arith.mulf %gather3A, %gather3A_615 : vector<16xf32>
      %add3A_712 = arith.addf %mul3A_710, %mul3A_711 : vector<16xf32>
      %mul3A_713 = arith.mulf %sub3A_320, %gather3A_614 : vector<16xf32>
      %mul3A_714 = arith.mulf %gather3A, %gather3A_616 : vector<16xf32>
      %add3A_715 = arith.addf %mul3A_713, %mul3A_714 : vector<16xf32>
      %mul3A_716 = arith.mulf %sub3A_619, %add3A_712 : vector<16xf32>
      %mul3A_717 = arith.mulf %gather3A_575, %add3A_715 : vector<16xf32>
      %add3A_718 = arith.addf %mul3A_716, %mul3A_717 : vector<16xf32>
      %sub3A_719 = arith.subf %add3A_483, %add3A_628 : vector<16xf32>
      %abs3A = math.absf %sub3A_719 : vector<16xf32>
      %sub3A_720 = arith.subf %add3A_492, %add3A_637 : vector<16xf32>
      %abs3A_721 = math.absf %sub3A_720 : vector<16xf32>
      %add3A_722 = arith.addf %abs3A, %abs3A_721 : vector<16xf32>
      %sub3A_723 = arith.subf %add3A_501, %add3A_646 : vector<16xf32>
      %abs3A_724 = math.absf %sub3A_723 : vector<16xf32>
      %add3A_725 = arith.addf %add3A_722, %abs3A_724 : vector<16xf32>
      %sub3A_726 = arith.subf %add3A_510, %add3A_655 : vector<16xf32>
      %abs3A_727 = math.absf %sub3A_726 : vector<16xf32>
      %add3A_728 = arith.addf %add3A_725, %abs3A_727 : vector<16xf32>
      %sub3A_729 = arith.subf %add3A_519, %add3A_664 : vector<16xf32>
      %abs3A_730 = math.absf %sub3A_729 : vector<16xf32>
      %add3A_731 = arith.addf %add3A_728, %abs3A_730 : vector<16xf32>
      %sub3A_732 = arith.subf %add3A_528, %add3A_673 : vector<16xf32>
      %abs3A_733 = math.absf %sub3A_732 : vector<16xf32>
      %add3A_734 = arith.addf %add3A_731, %abs3A_733 : vector<16xf32>
      %sub3A_735 = arith.subf %add3A_537, %add3A_682 : vector<16xf32>
      %abs3A_736 = math.absf %sub3A_735 : vector<16xf32>
      %add3A_737 = arith.addf %add3A_734, %abs3A_736 : vector<16xf32>
      %sub3A_738 = arith.subf %add3A_546, %add3A_691 : vector<16xf32>
      %abs3A_739 = math.absf %sub3A_738 : vector<16xf32>
      %add3A_740 = arith.addf %add3A_737, %abs3A_739 : vector<16xf32>
      %sub3A_741 = arith.subf %add3A_555, %add3A_700 : vector<16xf32>
      %abs3A_742 = math.absf %sub3A_741 : vector<16xf32>
      %add3A_743 = arith.addf %add3A_740, %abs3A_742 : vector<16xf32>
      %sub3A_744 = arith.subf %add3A_564, %add3A_709 : vector<16xf32>
      %abs3A_745 = math.absf %sub3A_744 : vector<16xf32>
      %add3A_746 = arith.addf %add3A_743, %abs3A_745 : vector<16xf32>
      %sub3A_747 = arith.subf %add3A_573, %add3A_718 : vector<16xf32>
      %abs3A_748 = math.absf %sub3A_747 : vector<16xf32>
      %add3A_749 = arith.addf %add3A_746, %abs3A_748 : vector<16xf32>
      %gather3A_750 = tpu.vector_load_idx %arg19[%broadcast_in_dim3A_317] : memref<128xf32, #tpu.memory_space<vmem>>[vector<16xi32>], vector<16xf32>,
      %lt3A = arith.constant 11 : i32
      %lt3A_751 = vector.broadcast %lt3A : i32 to vector<16xi32>
      %lt3A_752 = arith.cmpi slt, %iota3A, %lt3A_751 : vector<16xi32>
      %jit3A_753 = arith.constant 0.000000e+00 : f32
      %broadcast_in_dim3A_754 = vector.broadcast %jit3A_753 : f32 to vector<16xf32>
      %select_n3A_755 = arith.select %lt3A_752, %add3A_749, %broadcast_in_dim3A_754 : vector<16xi1>, vector<16xf32>
      %mul3A_756 = arith.mulf %select_n3A_755, %gather3A_750 : vector<16xf32>
      %add3A_757 = arith.addf %scan3A_316, %mul3A_756 : vector<16xf32>
      scf.yield %add3A_757 : vector<16xf32>
    }
    %scan3A_289 = arith.constant 64 : i32
    %reduce_sum3A = arith.constant true
    %reduce_sum3A_290 = vector.broadcast %reduce_sum3A : i1 to vector<16xi1>
    %reduce_sum3A_291 = tpu.scan <sum>, %scan3A_288 masked %reduce_sum3A_290 : vector<16xf32>, vector<16xi1> -> vector<16xf32>
    %reduce_sum3A_292 = vector.extract %reduce_sum3A_291[15] : f32 from vector<16xf32>
    %mul3A_293 = arith.constant 0.00826446246 : f32
    %mul3A_294 = arith.mulf %reduce_sum3A_292, %mul3A_293 : f32
    %reduce_sum3A_295 = arith.constant true
    %reduce_sum3A_296 = vector.broadcast %reduce_sum3A_295 : i1 to vector<16xi1>
    %reduce_sum3A_297 = tpu.scan <sum>, %add3A_277 masked %reduce_sum3A_296 : vector<16xf32>, vector<16xi1> -> vector<16xf32>
    %reduce_sum3A_298 = vector.extract %reduce_sum3A_297[15] : f32 from vector<16xf32>
    %eq3A = arith.constant 0 : i32
    %eq3A_299 = vector.broadcast %eq3A : i32 to vector<16xi32>
    %eq3A_300 = arith.cmpi eq, %iota3A, %eq3A_299 : vector<16xi32>
    %jit3A_301 = arith.constant 0.000000e+00 : f32
    %broadcast_in_dim3A_302 = vector.broadcast %mul3A_294 : f32 to vector<16xf32>
    %broadcast_in_dim3A_303 = vector.broadcast %jit3A_301 : f32 to vector<16xf32>
    %select_n3A_304 = arith.select %eq3A_300, %broadcast_in_dim3A_302, %broadcast_in_dim3A_303 : vector<16xi1>, vector<16xf32>
    %eq3A_305 = arith.constant 1 : i32
    %eq3A_306 = vector.broadcast %eq3A_305 : i32 to vector<16xi32>
    %eq3A_307 = arith.cmpi eq, %iota3A, %eq3A_306 : vector<16xi32>
    %jit3A_308 = arith.constant 0.000000e+00 : f32
    %broadcast_in_dim3A_309 = vector.broadcast %reduce_sum3A_298 : f32 to vector<16xf32>
    %broadcast_in_dim3A_310 = vector.broadcast %jit3A_308 : f32 to vector<16xf32>
    %select_n3A_311 = arith.select %eq3A_307, %broadcast_in_dim3A_309, %broadcast_in_dim3A_310 : vector<16xi1>, vector<16xf32>
    %add3A_312 = arith.addf %select_n3A_304, %select_n3A_311 : vector<16xf32>
    %swap3A_313 = arith.constant 0 : index
    %swap3A_314 = tpu.vector_load %arg22[%swap3A_313] {strides = array<i32>} : memref<16xf32, #tpu.memory_space<vmem>>, vector<16xf32>,
    tpu.vector_store %arg22[%swap3A_313], %add3A_312 {strides = array<i32>} : memref<16xf32, #tpu.memory_space<vmem>>, vector<16xf32>,
    "tpu.region"() ({
      %run_scoped3A = tpu.sem_alloc : memref<!tpu.dma_semaphore, #tpu.memory_space<semaphore_mem>>
      %dma_start3A_315 = arith.constant 0 : i32
      %dma_start3A_316 = tpu.memref_slice %arg8[%add3A, %dma_start3A_315] : memref<32x16xf32, #tpu.memory_space<hbm>> -> memref<1x16xf32, #tpu.memory_space<hbm>>
      %dma_start3A_317 = tpu.memref_squeeze %dma_start3A_316 : memref<1x16xf32, #tpu.memory_space<hbm>> -> memref<16xf32, #tpu.memory_space<hbm>>
      %dma_start3A_318 = arith.constant 0 : i32
      %dma_start3A_319 = tpu.memref_slice %arg8[%add3A, %dma_start3A_318] : memref<32x16xf32, #tpu.memory_space<hbm>> -> memref<1x16xf32, #tpu.memory_space<hbm>>
      %dma_start3A_320 = tpu.memref_squeeze %dma_start3A_319 : memref<1x16xf32, #tpu.memory_space<hbm>> -> memref<16xf32, #tpu.memory_space<hbm>>
      tpu.enqueue_dma source(%arg22 : memref<16xf32, #tpu.memory_space<vmem>>) target(%dma_start3A_320 : memref<16xf32, #tpu.memory_space<hbm>>) target_semaphore(%run_scoped3A : memref<!tpu.dma_semaphore, #tpu.memory_space<semaphore_mem>>)
      %dma_wait3A_321 = arith.constant 0 : i32
      %dma_wait3A_322 = tpu.memref_slice %arg8[%add3A, %dma_wait3A_321] : memref<32x16xf32, #tpu.memory_space<hbm>> -> memref<1x16xf32, #tpu.memory_space<hbm>>
      %dma_wait3A_323 = tpu.memref_squeeze %dma_wait3A_322 : memref<1x16xf32, #tpu.memory_space<hbm>> -> memref<16xf32, #tpu.memory_space<hbm>>
      %dma_wait3A_324 = arith.constant 0 : i32
      %dma_wait3A_325 = tpu.memref_slice %arg8[%add3A, %dma_wait3A_324] : memref<32x16xf32, #tpu.memory_space<hbm>> -> memref<1x16xf32, #tpu.memory_space<hbm>>
      %dma_wait3A_326 = tpu.memref_squeeze %dma_wait3A_325 : memref<1x16xf32, #tpu.memory_space<hbm>> -> memref<16xf32, #tpu.memory_space<hbm>>
      tpu.wait_dma2 semaphore(%run_scoped3A : memref<!tpu.dma_semaphore, #tpu.memory_space<semaphore_mem>>) src(%arg22 : memref<16xf32, #tpu.memory_space<vmem>>) dst(%dma_wait3A_326 : memref<16xf32, #tpu.memory_space<hbm>>)
      tpu.yield
    }) : () -> ()
    return
  }
}

module attributes {stable_mosaic.version = 14 : i64} {
  func.func @_phy_kernel(%arg0: memref<2x4x4xf32, #tpu.memory_space<vmem>>, %arg1: memref<2x1024x1xf32, #tpu.memory_space<vmem>>, %arg2: memref<2x1024x1xf32, #tpu.memory_space<vmem>>, %arg3: memref<2x1024x1xf32, #tpu.memory_space<vmem>>, %arg4: memref<2x1024x1xf32, #tpu.memory_space<vmem>>, %arg5: memref<2x1x1024xf32, #tpu.memory_space<vmem>>, %arg6: memref<1x1xf32, #tpu.memory_space<smem>>) attributes {dimension_semantics = [], scalar_prefetch = 0 : i64, scratch_operands = 0 : i64, tpu.core_type = #tpu.core_type<tc>} {
    %get3A = arith.constant 0 : index
    %get3A_0 = arith.constant 0 : index
    %get3A_1 = arith.constant 0 : index
    %get3A_2 = vector.load %arg1[%get3A, %get3A_0, %get3A_1] : memref<2x1024x1xf32, #tpu.memory_space<vmem>>, vector<1x1024x1xf32>
    %get3A_3 = vector.shape_cast %get3A_2 : vector<1x1024x1xf32> to vector<1024x1xf32>
    %get3A_4 = arith.constant 0 : index
    %get3A_5 = arith.constant 0 : index
    %get3A_6 = arith.constant 0 : index
    %get3A_7 = vector.load %arg2[%get3A_4, %get3A_5, %get3A_6] : memref<2x1024x1xf32, #tpu.memory_space<vmem>>, vector<1x1024x1xf32>
    %get3A_8 = vector.shape_cast %get3A_7 : vector<1x1024x1xf32> to vector<1024x1xf32>
    %get3A_9 = arith.constant 0 : index
    %get3A_10 = arith.constant 0 : index
    %get3A_11 = arith.constant 0 : index
    %get3A_12 = vector.load %arg3[%get3A_9, %get3A_10, %get3A_11] : memref<2x1024x1xf32, #tpu.memory_space<vmem>>, vector<1x1024x1xf32>
    %get3A_13 = vector.shape_cast %get3A_12 : vector<1x1024x1xf32> to vector<1024x1xf32>
    %broadcast_in_dim3A = arith.constant 1.000000e+00 : f32
    %broadcast_in_dim3A_14 = vector.broadcast %broadcast_in_dim3A : f32 to vector<1024x1xf32>
    %concatenate3A = tpu.concatenate %get3A_3, %get3A_8, %get3A_13, %broadcast_in_dim3A_14 in 1 : vector<1024x1xf32>, vector<1024x1xf32>, vector<1024x1xf32>, vector<1024x1xf32> -> vector<1024x4xf32>
    %get3A_15 = arith.constant 0 : index
    %get3A_16 = arith.constant 0 : index
    %get3A_17 = arith.constant 0 : index
    %get3A_18 = vector.load %arg0[%get3A_15, %get3A_16, %get3A_17] : memref<2x4x4xf32, #tpu.memory_space<vmem>>, vector<1x4x4xf32>
    %get3A_19 = vector.shape_cast %get3A_18 : vector<1x4x4xf32> to vector<4x4xf32>
    %dot_general3A = arith.constant dense<0.000000e+00> : vector<1024x4xf32>
    %dot_general3A_20 = tpu.matmul %concatenate3A, %get3A_19, %dot_general3A {dimension_numbers = #tpu.dot_dimension_numbers<[1], [1], [0], [0], [0, 0, 1, 0], [], []>, transpose_lhs_hint = false} : vector<1024x4xf32>, vector<4x4xf32>, vector<1024x4xf32> -> vector<1024x4xf32>
    %slice3A = vector.extract_strided_slice %dot_general3A_20 {offsets = [0, 3], sizes = [1024, 1], strides = [1, 1]} : vector<1024x4xf32> to vector<1024x1xf32>
    %max3A = arith.constant 9.99999997E-7 : f32
    %max3A_21 = vector.broadcast %max3A : f32 to vector<1024x1xf32>
    %max3A_22 = arith.maximumf %slice3A, %max3A_21 : vector<1024x1xf32>
    %slice3A_23 = vector.extract_strided_slice %dot_general3A_20 {offsets = [0, 0], sizes = [1024, 1], strides = [1, 1]} : vector<1024x4xf32> to vector<1024x1xf32>
    %div3A = arith.divf %slice3A_23, %max3A_22 : vector<1024x1xf32>
    %slice3A_24 = vector.extract_strided_slice %dot_general3A_20 {offsets = [0, 1], sizes = [1024, 1], strides = [1, 1]} : vector<1024x4xf32> to vector<1024x1xf32>
    %div3A_25 = arith.divf %slice3A_24, %max3A_22 : vector<1024x1xf32>
    %slice3A_26 = vector.extract_strided_slice %dot_general3A_20 {offsets = [0, 2], sizes = [1024, 1], strides = [1, 1]} : vector<1024x4xf32> to vector<1024x1xf32>
    %div3A_27 = arith.divf %slice3A_26, %max3A_22 : vector<1024x1xf32>
    %mul3A = arith.mulf %div3A, %div3A : vector<1024x1xf32>
    %mul3A_28 = arith.mulf %div3A_25, %div3A_25 : vector<1024x1xf32>
    %add3A = arith.addf %mul3A, %mul3A_28 : vector<1024x1xf32>
    %gt3A = arith.constant 5.000000e+02 : f32
    %gt3A_29 = vector.broadcast %gt3A : f32 to vector<1024x1xf32>
    %gt3A_30 = arith.cmpf ogt, %div3A_27, %gt3A_29 : vector<1024x1xf32>
    %lt3A = arith.constant 1.500000e+04 : f32
    %lt3A_31 = vector.broadcast %lt3A : f32 to vector<1024x1xf32>
    %lt3A_32 = arith.cmpf olt, %div3A_27, %lt3A_31 : vector<1024x1xf32>
    %and3A = arith.andi %gt3A_30, %lt3A_32 : vector<1024x1xi1>
    %get3A_33 = arith.constant 0 : index
    %get3A_34 = arith.constant 0 : index
    %get3A_35 = arith.constant 0 : index
    %get3A_36 = vector.load %arg4[%get3A_33, %get3A_34, %get3A_35] : memref<2x1024x1xf32, #tpu.memory_space<vmem>>, vector<1x1024x1xf32>
    %get3A_37 = vector.shape_cast %get3A_36 : vector<1x1024x1xf32> to vector<1024x1xf32>
    %gt3A_38 = arith.constant 1.000000e-01 : f32
    %gt3A_39 = vector.broadcast %gt3A_38 : f32 to vector<1024x1xf32>
    %gt3A_40 = arith.cmpf ogt, %get3A_37, %gt3A_39 : vector<1024x1xf32>
    %and3A_41 = arith.andi %and3A, %gt3A_40 : vector<1024x1xi1>
    %concatenate3A_42 = tpu.concatenate %div3A, %div3A_25 in 1 : vector<1024x1xf32>, vector<1024x1xf32> -> vector<1024x2xf32>
    %dot_general3A_43 = arith.constant dense<0.000000e+00> : vector<1024x1024xf32>
    %dot_general3A_44 = tpu.matmul %concatenate3A_42, %concatenate3A_42, %dot_general3A_43 {dimension_numbers = #tpu.dot_dimension_numbers<[1], [1], [0], [0], [0, 0, 1, 0], [], []>, transpose_lhs_hint = false} : vector<1024x2xf32>, vector<1024x2xf32>, vector<1024x1024xf32> -> vector<1024x1024xf32>
    %transpose3A = tpu.transpose %div3A_27, [1, 0] : vector<1024x1xf32> -> vector<1x1024xf32>
    %transpose3A_45 = tpu.transpose %add3A, [1, 0] : vector<1024x1xf32> -> vector<1x1024xf32>
    %gt3A_46 = arith.constant 5.000000e+02 : f32
    %gt3A_47 = vector.broadcast %gt3A_46 : f32 to vector<1x1024xf32>
    %gt3A_48 = arith.cmpf ogt, %transpose3A, %gt3A_47 : vector<1x1024xf32>
    %lt3A_49 = arith.constant 1.500000e+04 : f32
    %lt3A_50 = vector.broadcast %lt3A_49 : f32 to vector<1x1024xf32>
    %lt3A_51 = arith.cmpf olt, %transpose3A, %lt3A_50 : vector<1x1024xf32>
    %and3A_52 = arith.andi %gt3A_48, %lt3A_51 : vector<1x1024xi1>
    %get3A_53 = arith.constant 0 : index
    %get3A_54 = arith.constant 0 : index
    %get3A_55 = arith.constant 0 : index
    %get3A_56 = vector.load %arg5[%get3A_53, %get3A_54, %get3A_55] : memref<2x1x1024xf32, #tpu.memory_space<vmem>>, vector<1x1x1024xf32>
    %get3A_57 = vector.shape_cast %get3A_56 : vector<1x1x1024xf32> to vector<1x1024xf32>
    %gt3A_58 = arith.constant 1.000000e-01 : f32
    %gt3A_59 = vector.broadcast %gt3A_58 : f32 to vector<1x1024xf32>
    %gt3A_60 = arith.cmpf ogt, %get3A_57, %gt3A_59 : vector<1x1024xf32>
    %and3A_61 = arith.andi %and3A_52, %gt3A_60 : vector<1x1024xi1>
    %add3A_62 = vector.broadcast %add3A : vector<1024x1xf32> to vector<1024x1024xf32>
    %add3A_63 = vector.broadcast %transpose3A_45 : vector<1x1024xf32> to vector<1024x1024xf32>
    %add3A_64 = arith.addf %add3A_62, %add3A_63 : vector<1024x1024xf32>
    %mul3A_65 = arith.constant 2.000000e+00 : f32
    %mul3A_66 = vector.broadcast %mul3A_65 : f32 to vector<1024x1024xf32>
    %mul3A_67 = arith.mulf %mul3A_66, %dot_general3A_44 : vector<1024x1024xf32>
    %sub3A = arith.subf %add3A_64, %mul3A_67 : vector<1024x1024xf32>
    %max3A_68 = arith.constant 0.000000e+00 : f32
    %max3A_69 = vector.broadcast %max3A_68 : f32 to vector<1024x1024xf32>
    %max3A_70 = arith.maximumf %sub3A, %max3A_69 : vector<1024x1024xf32>
    %sqrt3A = math.sqrt %max3A_70 : vector<1024x1024xf32>
    %jit3A = arith.constant 0x7F800000 : f32
    %broadcast_in_dim3A_71 = vector.shape_cast %and3A_61 : vector<1x1024xi1> to vector<1x1024xi1>
    %broadcast_in_dim3A_72 = vector.broadcast %broadcast_in_dim3A_71 : vector<1x1024xi1> to vector<1024x1024xi1>
    %broadcast_in_dim3A_73 = vector.broadcast %jit3A : f32 to vector<1024x1024xf32>
    %select_n3A = arith.select %broadcast_in_dim3A_72, %sqrt3A, %broadcast_in_dim3A_73 : vector<1024x1024xi1>, vector<1024x1024xf32>
    %iota3A = tpu.iota {dimensions = array<i32: 1>} : vector<1024x1024xi32>
    %argmin3A = tpu.reduce_index %select_n3A {axis = 1 : i32, kind = #tpu.reduction_kind<arg_min>} : vector<1024x1024xf32> -> vector<1024xi32>
    %broadcast_in_dim3A_74 = vector.shape_cast %argmin3A : vector<1024xi32> to vector<1024x1xi32>
    %eq3A = vector.broadcast %broadcast_in_dim3A_74 : vector<1024x1xi32> to vector<1024x1024xi32>
    %eq3A_75 = arith.cmpi eq, %iota3A, %eq3A : vector<1024x1024xi32>
    %jit3A_76 = arith.constant 0x7F800000 : f32
    %broadcast_in_dim3A_77 = vector.broadcast %jit3A_76 : f32 to vector<1024x1024xf32>
    %select_n3A_78 = arith.select %eq3A_75, %broadcast_in_dim3A_77, %select_n3A : vector<1024x1024xi1>, vector<1024x1024xf32>
    %argmin3A_79 = tpu.reduce_index %select_n3A_78 {axis = 1 : i32, kind = #tpu.reduction_kind<arg_min>} : vector<1024x1024xf32> -> vector<1024xi32>
    %broadcast_in_dim3A_80 = vector.shape_cast %argmin3A_79 : vector<1024xi32> to vector<1024x1xi32>
    %eq3A_81 = vector.broadcast %broadcast_in_dim3A_80 : vector<1024x1xi32> to vector<1024x1024xi32>
    %eq3A_82 = arith.cmpi eq, %iota3A, %eq3A_81 : vector<1024x1024xi32>
    %jit3A_83 = arith.constant 0.000000e+00 : f32
    %broadcast_in_dim3A_84 = vector.shape_cast %transpose3A : vector<1x1024xf32> to vector<1x1024xf32>
    %broadcast_in_dim3A_85 = vector.broadcast %broadcast_in_dim3A_84 : vector<1x1024xf32> to vector<1024x1024xf32>
    %broadcast_in_dim3A_86 = vector.broadcast %jit3A_83 : f32 to vector<1024x1024xf32>
    %select_n3A_87 = arith.select %eq3A_82, %broadcast_in_dim3A_85, %broadcast_in_dim3A_86 : vector<1024x1024xi1>, vector<1024x1024xf32>
    %reduce_sum3A = arith.constant dense<0.000000e+00> : vector<1024xf32>
    %reduce_sum3A_88 = vector.multi_reduction <add>, %select_n3A_87, %reduce_sum3A [1] : vector<1024x1024xf32> to vector<1024xf32>
    %broadcast_in_dim3A_89 = vector.shape_cast %reduce_sum3A_88 : vector<1024xf32> to vector<1024x1xf32>
    %jit3A_90 = arith.constant 0x7F800000 : f32
    %broadcast_in_dim3A_91 = vector.broadcast %jit3A_90 : f32 to vector<1024x1024xf32>
    %select_n3A_92 = arith.select %eq3A_82, %broadcast_in_dim3A_91, %select_n3A_78 : vector<1024x1024xi1>, vector<1024x1024xf32>
    %argmin3A_93 = tpu.reduce_index %select_n3A_92 {axis = 1 : i32, kind = #tpu.reduction_kind<arg_min>} : vector<1024x1024xf32> -> vector<1024xi32>
    %broadcast_in_dim3A_94 = vector.shape_cast %argmin3A_93 : vector<1024xi32> to vector<1024x1xi32>
    %eq3A_95 = vector.broadcast %broadcast_in_dim3A_94 : vector<1024x1xi32> to vector<1024x1024xi32>
    %eq3A_96 = arith.cmpi eq, %iota3A, %eq3A_95 : vector<1024x1024xi32>
    %jit3A_97 = arith.constant 0.000000e+00 : f32
    %broadcast_in_dim3A_98 = vector.shape_cast %transpose3A : vector<1x1024xf32> to vector<1x1024xf32>
    %broadcast_in_dim3A_99 = vector.broadcast %broadcast_in_dim3A_98 : vector<1x1024xf32> to vector<1024x1024xf32>
    %broadcast_in_dim3A_100 = vector.broadcast %jit3A_97 : f32 to vector<1024x1024xf32>
    %select_n3A_101 = arith.select %eq3A_96, %broadcast_in_dim3A_99, %broadcast_in_dim3A_100 : vector<1024x1024xi1>, vector<1024x1024xf32>
    %reduce_sum3A_102 = arith.constant dense<0.000000e+00> : vector<1024xf32>
    %reduce_sum3A_103 = vector.multi_reduction <add>, %select_n3A_101, %reduce_sum3A_102 [1] : vector<1024x1024xf32> to vector<1024xf32>
    %broadcast_in_dim3A_104 = vector.shape_cast %reduce_sum3A_103 : vector<1024xf32> to vector<1024x1xf32>
    %jit3A_105 = arith.constant 0x7F800000 : f32
    %broadcast_in_dim3A_106 = vector.broadcast %jit3A_105 : f32 to vector<1024x1024xf32>
    %select_n3A_107 = arith.select %eq3A_96, %broadcast_in_dim3A_106, %select_n3A_92 : vector<1024x1024xi1>, vector<1024x1024xf32>
    %argmin3A_108 = tpu.reduce_index %select_n3A_107 {axis = 1 : i32, kind = #tpu.reduction_kind<arg_min>} : vector<1024x1024xf32> -> vector<1024xi32>
    %broadcast_in_dim3A_109 = vector.shape_cast %argmin3A_108 : vector<1024xi32> to vector<1024x1xi32>
    %eq3A_110 = vector.broadcast %broadcast_in_dim3A_109 : vector<1024x1xi32> to vector<1024x1024xi32>
    %eq3A_111 = arith.cmpi eq, %iota3A, %eq3A_110 : vector<1024x1024xi32>
    %jit3A_112 = arith.constant 0.000000e+00 : f32
    %broadcast_in_dim3A_113 = vector.shape_cast %transpose3A : vector<1x1024xf32> to vector<1x1024xf32>
    %broadcast_in_dim3A_114 = vector.broadcast %broadcast_in_dim3A_113 : vector<1x1024xf32> to vector<1024x1024xf32>
    %broadcast_in_dim3A_115 = vector.broadcast %jit3A_112 : f32 to vector<1024x1024xf32>
    %select_n3A_116 = arith.select %eq3A_111, %broadcast_in_dim3A_114, %broadcast_in_dim3A_115 : vector<1024x1024xi1>, vector<1024x1024xf32>
    %reduce_sum3A_117 = arith.constant dense<0.000000e+00> : vector<1024xf32>
    %reduce_sum3A_118 = vector.multi_reduction <add>, %select_n3A_116, %reduce_sum3A_117 [1] : vector<1024x1024xf32> to vector<1024xf32>
    %broadcast_in_dim3A_119 = vector.shape_cast %reduce_sum3A_118 : vector<1024xf32> to vector<1024x1xf32>
    %jit3A_120 = arith.constant 0x7F800000 : f32
    %broadcast_in_dim3A_121 = vector.broadcast %jit3A_120 : f32 to vector<1024x1024xf32>
    %select_n3A_122 = arith.select %eq3A_111, %broadcast_in_dim3A_121, %select_n3A_107 : vector<1024x1024xi1>, vector<1024x1024xf32>
    %argmin3A_123 = tpu.reduce_index %select_n3A_122 {axis = 1 : i32, kind = #tpu.reduction_kind<arg_min>} : vector<1024x1024xf32> -> vector<1024xi32>
    %broadcast_in_dim3A_124 = vector.shape_cast %argmin3A_123 : vector<1024xi32> to vector<1024x1xi32>
    %eq3A_125 = vector.broadcast %broadcast_in_dim3A_124 : vector<1024x1xi32> to vector<1024x1024xi32>
    %eq3A_126 = arith.cmpi eq, %iota3A, %eq3A_125 : vector<1024x1024xi32>
    %jit3A_127 = arith.constant 0.000000e+00 : f32
    %broadcast_in_dim3A_128 = vector.shape_cast %transpose3A : vector<1x1024xf32> to vector<1x1024xf32>
    %broadcast_in_dim3A_129 = vector.broadcast %broadcast_in_dim3A_128 : vector<1x1024xf32> to vector<1024x1024xf32>
    %broadcast_in_dim3A_130 = vector.broadcast %jit3A_127 : f32 to vector<1024x1024xf32>
    %select_n3A_131 = arith.select %eq3A_126, %broadcast_in_dim3A_129, %broadcast_in_dim3A_130 : vector<1024x1024xi1>, vector<1024x1024xf32>
    %reduce_sum3A_132 = arith.constant dense<0.000000e+00> : vector<1024xf32>
    %reduce_sum3A_133 = vector.multi_reduction <add>, %select_n3A_131, %reduce_sum3A_132 [1] : vector<1024x1024xf32> to vector<1024xf32>
    %broadcast_in_dim3A_134 = vector.shape_cast %reduce_sum3A_133 : vector<1024xf32> to vector<1024x1xf32>
    %jit3A_135 = arith.constant 0x7F800000 : f32
    %broadcast_in_dim3A_136 = vector.broadcast %jit3A_135 : f32 to vector<1024x1024xf32>
    %select_n3A_137 = arith.select %eq3A_126, %broadcast_in_dim3A_136, %select_n3A_122 : vector<1024x1024xi1>, vector<1024x1024xf32>
    %argmin3A_138 = tpu.reduce_index %select_n3A_137 {axis = 1 : i32, kind = #tpu.reduction_kind<arg_min>} : vector<1024x1024xf32> -> vector<1024xi32>
    %broadcast_in_dim3A_139 = vector.shape_cast %argmin3A_138 : vector<1024xi32> to vector<1024x1xi32>
    %eq3A_140 = vector.broadcast %broadcast_in_dim3A_139 : vector<1024x1xi32> to vector<1024x1024xi32>
    %eq3A_141 = arith.cmpi eq, %iota3A, %eq3A_140 : vector<1024x1024xi32>
    %jit3A_142 = arith.constant 0.000000e+00 : f32
    %broadcast_in_dim3A_143 = vector.shape_cast %transpose3A : vector<1x1024xf32> to vector<1x1024xf32>
    %broadcast_in_dim3A_144 = vector.broadcast %broadcast_in_dim3A_143 : vector<1x1024xf32> to vector<1024x1024xf32>
    %broadcast_in_dim3A_145 = vector.broadcast %jit3A_142 : f32 to vector<1024x1024xf32>
    %select_n3A_146 = arith.select %eq3A_141, %broadcast_in_dim3A_144, %broadcast_in_dim3A_145 : vector<1024x1024xi1>, vector<1024x1024xf32>
    %reduce_sum3A_147 = arith.constant dense<0.000000e+00> : vector<1024xf32>
    %reduce_sum3A_148 = vector.multi_reduction <add>, %select_n3A_146, %reduce_sum3A_147 [1] : vector<1024x1024xf32> to vector<1024xf32>
    %broadcast_in_dim3A_149 = vector.shape_cast %reduce_sum3A_148 : vector<1024xf32> to vector<1024x1xf32>
    %add3A_150 = arith.addf %broadcast_in_dim3A_89, %broadcast_in_dim3A_104 : vector<1024x1xf32>
    %add3A_151 = arith.addf %add3A_150, %broadcast_in_dim3A_119 : vector<1024x1xf32>
    %add3A_152 = arith.addf %add3A_151, %broadcast_in_dim3A_134 : vector<1024x1xf32>
    %add3A_153 = arith.addf %add3A_152, %broadcast_in_dim3A_149 : vector<1024x1xf32>
    %mul3A_154 = arith.constant 2.000000e-01 : f32
    %mul3A_155 = vector.broadcast %mul3A_154 : f32 to vector<1024x1xf32>
    %mul3A_156 = arith.mulf %add3A_153, %mul3A_155 : vector<1024x1xf32>
    %broadcast_in_dim3A_157 = arith.constant 0.000000e+00 : f32
    %broadcast_in_dim3A_158 = vector.broadcast %broadcast_in_dim3A_157 : f32 to vector<1024x1xf32>
    %sub3A_159 = arith.subf %broadcast_in_dim3A_89, %mul3A_156 : vector<1024x1xf32>
    %mul3A_160 = arith.mulf %sub3A_159, %sub3A_159 : vector<1024x1xf32>
    %add3A_161 = arith.addf %broadcast_in_dim3A_158, %mul3A_160 : vector<1024x1xf32>
    %sub3A_162 = arith.subf %broadcast_in_dim3A_104, %mul3A_156 : vector<1024x1xf32>
    %mul3A_163 = arith.mulf %sub3A_162, %sub3A_162 : vector<1024x1xf32>
    %add3A_164 = arith.addf %add3A_161, %mul3A_163 : vector<1024x1xf32>
    %sub3A_165 = arith.subf %broadcast_in_dim3A_119, %mul3A_156 : vector<1024x1xf32>
    %mul3A_166 = arith.mulf %sub3A_165, %sub3A_165 : vector<1024x1xf32>
    %add3A_167 = arith.addf %add3A_164, %mul3A_166 : vector<1024x1xf32>
    %sub3A_168 = arith.subf %broadcast_in_dim3A_134, %mul3A_156 : vector<1024x1xf32>
    %mul3A_169 = arith.mulf %sub3A_168, %sub3A_168 : vector<1024x1xf32>
    %add3A_170 = arith.addf %add3A_167, %mul3A_169 : vector<1024x1xf32>
    %sub3A_171 = arith.subf %broadcast_in_dim3A_149, %mul3A_156 : vector<1024x1xf32>
    %mul3A_172 = arith.mulf %sub3A_171, %sub3A_171 : vector<1024x1xf32>
    %add3A_173 = arith.addf %add3A_170, %mul3A_172 : vector<1024x1xf32>
    %mul3A_174 = arith.constant 2.500000e-01 : f32
    %mul3A_175 = vector.broadcast %mul3A_174 : f32 to vector<1024x1xf32>
    %mul3A_176 = arith.mulf %add3A_173, %mul3A_175 : vector<1024x1xf32>
    %sub3A_177 = arith.subf %div3A_27, %mul3A_156 : vector<1024x1xf32>
    %abs3A = math.absf %sub3A_177 : vector<1024x1xf32>
    %lt3A_178 = arith.constant 1.000000e+01 : f32
    %lt3A_179 = vector.broadcast %lt3A_178 : f32 to vector<1024x1xf32>
    %lt3A_180 = arith.cmpf olt, %abs3A, %lt3A_179 : vector<1024x1xf32>
    %mul3A_181 = arith.constant 5.000000e-01 : f32
    %mul3A_182 = vector.broadcast %mul3A_181 : f32 to vector<1024x1xf32>
    %mul3A_183 = arith.mulf %mul3A_182, %abs3A : vector<1024x1xf32>
    %mul3A_184 = arith.mulf %mul3A_183, %abs3A : vector<1024x1xf32>
    %div3A_185 = arith.constant 1.000000e+01 : f32
    %div3A_186 = vector.broadcast %div3A_185 : f32 to vector<1024x1xf32>
    %div3A_187 = arith.divf %mul3A_184, %div3A_186 : vector<1024x1xf32>
    %mul3A_188 = arith.constant 5.000000e-01 : f32
    %mul3A_189 = arith.constant 1.000000e+01 : f32
    %mul3A_190 = arith.mulf %mul3A_188, %mul3A_189 : f32
    %sub3A_191 = vector.broadcast %mul3A_190 : f32 to vector<1024x1xf32>
    %sub3A_192 = arith.subf %abs3A, %sub3A_191 : vector<1024x1xf32>
    %select_n3A_193 = arith.select %lt3A_180, %div3A_187, %sub3A_192 : vector<1024x1xi1>, vector<1024x1xf32>
    %convert_element_type3A = arith.extui %and3A_41 : vector<1024x1xi1> to vector<1024x1xi32>
    %convert_element_type3A_194 = arith.sitofp %convert_element_type3A : vector<1024x1xi32> to vector<1024x1xf32>
    %reduce_sum3A_195 = vector.shape_cast %convert_element_type3A_194 : vector<1024x1xf32> to vector<1x1024x1xf32>
    %reduce_sum3A_196 = arith.constant dense<0.000000e+00> : vector<1xf32>
    %reduce_sum3A_197 = vector.multi_reduction <add>, %reduce_sum3A_195, %reduce_sum3A_196 [1, 2] : vector<1x1024x1xf32> to vector<1xf32>
    %reduce_sum3A_198 = vector.shape_cast %reduce_sum3A_197 : vector<1xf32> to vector<1x1x1xf32>
    %reduce_sum3A_199 = vector.extract %reduce_sum3A_198[0, 0, 0] : f32 from vector<1x1x1xf32>
    %max3A_200 = arith.constant 1.000000e+00 : f32
    %max3A_201 = arith.maximumf %reduce_sum3A_199, %max3A_200 : f32
    %mul3A_202 = arith.mulf %mul3A_176, %convert_element_type3A_194 : vector<1024x1xf32>
    %reduce_sum3A_203 = vector.shape_cast %mul3A_202 : vector<1024x1xf32> to vector<1x1024x1xf32>
    %reduce_sum3A_204 = arith.constant dense<0.000000e+00> : vector<1xf32>
    %reduce_sum3A_205 = vector.multi_reduction <add>, %reduce_sum3A_203, %reduce_sum3A_204 [1, 2] : vector<1x1024x1xf32> to vector<1xf32>
    %reduce_sum3A_206 = vector.shape_cast %reduce_sum3A_205 : vector<1xf32> to vector<1x1x1xf32>
    %reduce_sum3A_207 = vector.extract %reduce_sum3A_206[0, 0, 0] : f32 from vector<1x1x1xf32>
    %div3A_208 = arith.divf %reduce_sum3A_207, %max3A_201 : f32
    %mul3A_209 = arith.mulf %select_n3A_193, %convert_element_type3A_194 : vector<1024x1xf32>
    %reduce_sum3A_210 = vector.shape_cast %mul3A_209 : vector<1024x1xf32> to vector<1x1024x1xf32>
    %reduce_sum3A_211 = arith.constant dense<0.000000e+00> : vector<1xf32>
    %reduce_sum3A_212 = vector.multi_reduction <add>, %reduce_sum3A_210, %reduce_sum3A_211 [1, 2] : vector<1x1024x1xf32> to vector<1xf32>
    %reduce_sum3A_213 = vector.shape_cast %reduce_sum3A_212 : vector<1xf32> to vector<1x1x1xf32>
    %reduce_sum3A_214 = vector.extract %reduce_sum3A_213[0, 0, 0] : f32 from vector<1x1x1xf32>
    %div3A_215 = arith.divf %reduce_sum3A_214, %max3A_201 : f32
    %ge3A = arith.constant 1.000000e+01 : f32
    %ge3A_216 = arith.cmpf oge, %reduce_sum3A_199, %ge3A : f32
    %convert_element_type3A_217 = arith.extui %ge3A_216 : i1 to i32
    %convert_element_type3A_218 = arith.sitofp %convert_element_type3A_217 : i32 to f32
    %mul3A_219 = arith.constant 1.000000e-01 : f32
    %mul3A_220 = arith.mulf %mul3A_219, %div3A_208 : f32
    %add3A_221 = arith.addf %div3A_215, %mul3A_220 : f32
    %mul3A_222 = arith.mulf %convert_element_type3A_218, %add3A_221 : f32
    %add3A_223 = arith.constant 0.000000e+00 : f32
    %add3A_224 = arith.addf %add3A_223, %mul3A_222 : f32
    %add3A_225 = arith.constant 0.000000e+00 : f32
    %add3A_226 = arith.addf %add3A_225, %convert_element_type3A_218 : f32
    %get3A_227 = arith.constant 1 : index
    %get3A_228 = arith.constant 0 : index
    %get3A_229 = arith.constant 0 : index
    %get3A_230 = vector.load %arg1[%get3A_227, %get3A_228, %get3A_229] : memref<2x1024x1xf32, #tpu.memory_space<vmem>>, vector<1x1024x1xf32>
    %get3A_231 = vector.shape_cast %get3A_230 : vector<1x1024x1xf32> to vector<1024x1xf32>
    %get3A_232 = arith.constant 1 : index
    %get3A_233 = arith.constant 0 : index
    %get3A_234 = arith.constant 0 : index
    %get3A_235 = vector.load %arg2[%get3A_232, %get3A_233, %get3A_234] : memref<2x1024x1xf32, #tpu.memory_space<vmem>>, vector<1x1024x1xf32>
    %get3A_236 = vector.shape_cast %get3A_235 : vector<1x1024x1xf32> to vector<1024x1xf32>
    %get3A_237 = arith.constant 1 : index
    %get3A_238 = arith.constant 0 : index
    %get3A_239 = arith.constant 0 : index
    %get3A_240 = vector.load %arg3[%get3A_237, %get3A_238, %get3A_239] : memref<2x1024x1xf32, #tpu.memory_space<vmem>>, vector<1x1024x1xf32>
    %get3A_241 = vector.shape_cast %get3A_240 : vector<1x1024x1xf32> to vector<1024x1xf32>
    %broadcast_in_dim3A_242 = arith.constant 1.000000e+00 : f32
    %broadcast_in_dim3A_243 = vector.broadcast %broadcast_in_dim3A_242 : f32 to vector<1024x1xf32>
    %concatenate3A_244 = tpu.concatenate %get3A_231, %get3A_236, %get3A_241, %broadcast_in_dim3A_243 in 1 : vector<1024x1xf32>, vector<1024x1xf32>, vector<1024x1xf32>, vector<1024x1xf32> -> vector<1024x4xf32>
    %get3A_245 = arith.constant 1 : index
    %get3A_246 = arith.constant 0 : index
    %get3A_247 = arith.constant 0 : index
    %get3A_248 = vector.load %arg0[%get3A_245, %get3A_246, %get3A_247] : memref<2x4x4xf32, #tpu.memory_space<vmem>>, vector<1x4x4xf32>
    %get3A_249 = vector.shape_cast %get3A_248 : vector<1x4x4xf32> to vector<4x4xf32>
    %dot_general3A_250 = arith.constant dense<0.000000e+00> : vector<1024x4xf32>
    %dot_general3A_251 = tpu.matmul %concatenate3A_244, %get3A_249, %dot_general3A_250 {dimension_numbers = #tpu.dot_dimension_numbers<[1], [1], [0], [0], [0, 0, 1, 0], [], []>, transpose_lhs_hint = false} : vector<1024x4xf32>, vector<4x4xf32>, vector<1024x4xf32> -> vector<1024x4xf32>
    %slice3A_252 = vector.extract_strided_slice %dot_general3A_251 {offsets = [0, 3], sizes = [1024, 1], strides = [1, 1]} : vector<1024x4xf32> to vector<1024x1xf32>
    %max3A_253 = arith.constant 9.99999997E-7 : f32
    %max3A_254 = vector.broadcast %max3A_253 : f32 to vector<1024x1xf32>
    %max3A_255 = arith.maximumf %slice3A_252, %max3A_254 : vector<1024x1xf32>
    %slice3A_256 = vector.extract_strided_slice %dot_general3A_251 {offsets = [0, 0], sizes = [1024, 1], strides = [1, 1]} : vector<1024x4xf32> to vector<1024x1xf32>
    %div3A_257 = arith.divf %slice3A_256, %max3A_255 : vector<1024x1xf32>
    %slice3A_258 = vector.extract_strided_slice %dot_general3A_251 {offsets = [0, 1], sizes = [1024, 1], strides = [1, 1]} : vector<1024x4xf32> to vector<1024x1xf32>
    %div3A_259 = arith.divf %slice3A_258, %max3A_255 : vector<1024x1xf32>
    %slice3A_260 = vector.extract_strided_slice %dot_general3A_251 {offsets = [0, 2], sizes = [1024, 1], strides = [1, 1]} : vector<1024x4xf32> to vector<1024x1xf32>
    %div3A_261 = arith.divf %slice3A_260, %max3A_255 : vector<1024x1xf32>
    %mul3A_262 = arith.mulf %div3A_257, %div3A_257 : vector<1024x1xf32>
    %mul3A_263 = arith.mulf %div3A_259, %div3A_259 : vector<1024x1xf32>
    %add3A_264 = arith.addf %mul3A_262, %mul3A_263 : vector<1024x1xf32>
    %gt3A_265 = arith.constant 5.000000e+02 : f32
    %gt3A_266 = vector.broadcast %gt3A_265 : f32 to vector<1024x1xf32>
    %gt3A_267 = arith.cmpf ogt, %div3A_261, %gt3A_266 : vector<1024x1xf32>
    %lt3A_268 = arith.constant 1.500000e+04 : f32
    %lt3A_269 = vector.broadcast %lt3A_268 : f32 to vector<1024x1xf32>
    %lt3A_270 = arith.cmpf olt, %div3A_261, %lt3A_269 : vector<1024x1xf32>
    %and3A_271 = arith.andi %gt3A_267, %lt3A_270 : vector<1024x1xi1>
    %get3A_272 = arith.constant 1 : index
    %get3A_273 = arith.constant 0 : index
    %get3A_274 = arith.constant 0 : index
    %get3A_275 = vector.load %arg4[%get3A_272, %get3A_273, %get3A_274] : memref<2x1024x1xf32, #tpu.memory_space<vmem>>, vector<1x1024x1xf32>
    %get3A_276 = vector.shape_cast %get3A_275 : vector<1x1024x1xf32> to vector<1024x1xf32>
    %gt3A_277 = arith.constant 1.000000e-01 : f32
    %gt3A_278 = vector.broadcast %gt3A_277 : f32 to vector<1024x1xf32>
    %gt3A_279 = arith.cmpf ogt, %get3A_276, %gt3A_278 : vector<1024x1xf32>
    %and3A_280 = arith.andi %and3A_271, %gt3A_279 : vector<1024x1xi1>
    %concatenate3A_281 = tpu.concatenate %div3A_257, %div3A_259 in 1 : vector<1024x1xf32>, vector<1024x1xf32> -> vector<1024x2xf32>
    %dot_general3A_282 = arith.constant dense<0.000000e+00> : vector<1024x1024xf32>
    %dot_general3A_283 = tpu.matmul %concatenate3A_281, %concatenate3A_281, %dot_general3A_282 {dimension_numbers = #tpu.dot_dimension_numbers<[1], [1], [0], [0], [0, 0, 1, 0], [], []>, transpose_lhs_hint = false} : vector<1024x2xf32>, vector<1024x2xf32>, vector<1024x1024xf32> -> vector<1024x1024xf32>
    %transpose3A_284 = tpu.transpose %div3A_261, [1, 0] : vector<1024x1xf32> -> vector<1x1024xf32>
    %transpose3A_285 = tpu.transpose %add3A_264, [1, 0] : vector<1024x1xf32> -> vector<1x1024xf32>
    %gt3A_286 = arith.constant 5.000000e+02 : f32
    %gt3A_287 = vector.broadcast %gt3A_286 : f32 to vector<1x1024xf32>
    %gt3A_288 = arith.cmpf ogt, %transpose3A_284, %gt3A_287 : vector<1x1024xf32>
    %lt3A_289 = arith.constant 1.500000e+04 : f32
    %lt3A_290 = vector.broadcast %lt3A_289 : f32 to vector<1x1024xf32>
    %lt3A_291 = arith.cmpf olt, %transpose3A_284, %lt3A_290 : vector<1x1024xf32>
    %and3A_292 = arith.andi %gt3A_288, %lt3A_291 : vector<1x1024xi1>
    %get3A_293 = arith.constant 1 : index
    %get3A_294 = arith.constant 0 : index
    %get3A_295 = arith.constant 0 : index
    %get3A_296 = vector.load %arg5[%get3A_293, %get3A_294, %get3A_295] : memref<2x1x1024xf32, #tpu.memory_space<vmem>>, vector<1x1x1024xf32>
    %get3A_297 = vector.shape_cast %get3A_296 : vector<1x1x1024xf32> to vector<1x1024xf32>
    %gt3A_298 = arith.constant 1.000000e-01 : f32
    %gt3A_299 = vector.broadcast %gt3A_298 : f32 to vector<1x1024xf32>
    %gt3A_300 = arith.cmpf ogt, %get3A_297, %gt3A_299 : vector<1x1024xf32>
    %and3A_301 = arith.andi %and3A_292, %gt3A_300 : vector<1x1024xi1>
    %add3A_302 = vector.broadcast %add3A_264 : vector<1024x1xf32> to vector<1024x1024xf32>
    %add3A_303 = vector.broadcast %transpose3A_285 : vector<1x1024xf32> to vector<1024x1024xf32>
    %add3A_304 = arith.addf %add3A_302, %add3A_303 : vector<1024x1024xf32>
    %mul3A_305 = arith.constant 2.000000e+00 : f32
    %mul3A_306 = vector.broadcast %mul3A_305 : f32 to vector<1024x1024xf32>
    %mul3A_307 = arith.mulf %mul3A_306, %dot_general3A_283 : vector<1024x1024xf32>
    %sub3A_308 = arith.subf %add3A_304, %mul3A_307 : vector<1024x1024xf32>
    %max3A_309 = arith.constant 0.000000e+00 : f32
    %max3A_310 = vector.broadcast %max3A_309 : f32 to vector<1024x1024xf32>
    %max3A_311 = arith.maximumf %sub3A_308, %max3A_310 : vector<1024x1024xf32>
    %sqrt3A_312 = math.sqrt %max3A_311 : vector<1024x1024xf32>
    %jit3A_313 = arith.constant 0x7F800000 : f32
    %broadcast_in_dim3A_314 = vector.shape_cast %and3A_301 : vector<1x1024xi1> to vector<1x1024xi1>
    %broadcast_in_dim3A_315 = vector.broadcast %broadcast_in_dim3A_314 : vector<1x1024xi1> to vector<1024x1024xi1>
    %broadcast_in_dim3A_316 = vector.broadcast %jit3A_313 : f32 to vector<1024x1024xf32>
    %select_n3A_317 = arith.select %broadcast_in_dim3A_315, %sqrt3A_312, %broadcast_in_dim3A_316 : vector<1024x1024xi1>, vector<1024x1024xf32>
    %iota3A_318 = tpu.iota {dimensions = array<i32: 1>} : vector<1024x1024xi32>
    %argmin3A_319 = tpu.reduce_index %select_n3A_317 {axis = 1 : i32, kind = #tpu.reduction_kind<arg_min>} : vector<1024x1024xf32> -> vector<1024xi32>
    %broadcast_in_dim3A_320 = vector.shape_cast %argmin3A_319 : vector<1024xi32> to vector<1024x1xi32>
    %eq3A_321 = vector.broadcast %broadcast_in_dim3A_320 : vector<1024x1xi32> to vector<1024x1024xi32>
    %eq3A_322 = arith.cmpi eq, %iota3A_318, %eq3A_321 : vector<1024x1024xi32>
    %jit3A_323 = arith.constant 0x7F800000 : f32
    %broadcast_in_dim3A_324 = vector.broadcast %jit3A_323 : f32 to vector<1024x1024xf32>
    %select_n3A_325 = arith.select %eq3A_322, %broadcast_in_dim3A_324, %select_n3A_317 : vector<1024x1024xi1>, vector<1024x1024xf32>
    %argmin3A_326 = tpu.reduce_index %select_n3A_325 {axis = 1 : i32, kind = #tpu.reduction_kind<arg_min>} : vector<1024x1024xf32> -> vector<1024xi32>
    %broadcast_in_dim3A_327 = vector.shape_cast %argmin3A_326 : vector<1024xi32> to vector<1024x1xi32>
    %eq3A_328 = vector.broadcast %broadcast_in_dim3A_327 : vector<1024x1xi32> to vector<1024x1024xi32>
    %eq3A_329 = arith.cmpi eq, %iota3A_318, %eq3A_328 : vector<1024x1024xi32>
    %jit3A_330 = arith.constant 0.000000e+00 : f32
    %broadcast_in_dim3A_331 = vector.shape_cast %transpose3A_284 : vector<1x1024xf32> to vector<1x1024xf32>
    %broadcast_in_dim3A_332 = vector.broadcast %broadcast_in_dim3A_331 : vector<1x1024xf32> to vector<1024x1024xf32>
    %broadcast_in_dim3A_333 = vector.broadcast %jit3A_330 : f32 to vector<1024x1024xf32>
    %select_n3A_334 = arith.select %eq3A_329, %broadcast_in_dim3A_332, %broadcast_in_dim3A_333 : vector<1024x1024xi1>, vector<1024x1024xf32>
    %reduce_sum3A_335 = arith.constant dense<0.000000e+00> : vector<1024xf32>
    %reduce_sum3A_336 = vector.multi_reduction <add>, %select_n3A_334, %reduce_sum3A_335 [1] : vector<1024x1024xf32> to vector<1024xf32>
    %broadcast_in_dim3A_337 = vector.shape_cast %reduce_sum3A_336 : vector<1024xf32> to vector<1024x1xf32>
    %jit3A_338 = arith.constant 0x7F800000 : f32
    %broadcast_in_dim3A_339 = vector.broadcast %jit3A_338 : f32 to vector<1024x1024xf32>
    %select_n3A_340 = arith.select %eq3A_329, %broadcast_in_dim3A_339, %select_n3A_325 : vector<1024x1024xi1>, vector<1024x1024xf32>
    %argmin3A_341 = tpu.reduce_index %select_n3A_340 {axis = 1 : i32, kind = #tpu.reduction_kind<arg_min>} : vector<1024x1024xf32> -> vector<1024xi32>
    %broadcast_in_dim3A_342 = vector.shape_cast %argmin3A_341 : vector<1024xi32> to vector<1024x1xi32>
    %eq3A_343 = vector.broadcast %broadcast_in_dim3A_342 : vector<1024x1xi32> to vector<1024x1024xi32>
    %eq3A_344 = arith.cmpi eq, %iota3A_318, %eq3A_343 : vector<1024x1024xi32>
    %jit3A_345 = arith.constant 0.000000e+00 : f32
    %broadcast_in_dim3A_346 = vector.shape_cast %transpose3A_284 : vector<1x1024xf32> to vector<1x1024xf32>
    %broadcast_in_dim3A_347 = vector.broadcast %broadcast_in_dim3A_346 : vector<1x1024xf32> to vector<1024x1024xf32>
    %broadcast_in_dim3A_348 = vector.broadcast %jit3A_345 : f32 to vector<1024x1024xf32>
    %select_n3A_349 = arith.select %eq3A_344, %broadcast_in_dim3A_347, %broadcast_in_dim3A_348 : vector<1024x1024xi1>, vector<1024x1024xf32>
    %reduce_sum3A_350 = arith.constant dense<0.000000e+00> : vector<1024xf32>
    %reduce_sum3A_351 = vector.multi_reduction <add>, %select_n3A_349, %reduce_sum3A_350 [1] : vector<1024x1024xf32> to vector<1024xf32>
    %broadcast_in_dim3A_352 = vector.shape_cast %reduce_sum3A_351 : vector<1024xf32> to vector<1024x1xf32>
    %jit3A_353 = arith.constant 0x7F800000 : f32
    %broadcast_in_dim3A_354 = vector.broadcast %jit3A_353 : f32 to vector<1024x1024xf32>
    %select_n3A_355 = arith.select %eq3A_344, %broadcast_in_dim3A_354, %select_n3A_340 : vector<1024x1024xi1>, vector<1024x1024xf32>
    %argmin3A_356 = tpu.reduce_index %select_n3A_355 {axis = 1 : i32, kind = #tpu.reduction_kind<arg_min>} : vector<1024x1024xf32> -> vector<1024xi32>
    %broadcast_in_dim3A_357 = vector.shape_cast %argmin3A_356 : vector<1024xi32> to vector<1024x1xi32>
    %eq3A_358 = vector.broadcast %broadcast_in_dim3A_357 : vector<1024x1xi32> to vector<1024x1024xi32>
    %eq3A_359 = arith.cmpi eq, %iota3A_318, %eq3A_358 : vector<1024x1024xi32>
    %jit3A_360 = arith.constant 0.000000e+00 : f32
    %broadcast_in_dim3A_361 = vector.shape_cast %transpose3A_284 : vector<1x1024xf32> to vector<1x1024xf32>
    %broadcast_in_dim3A_362 = vector.broadcast %broadcast_in_dim3A_361 : vector<1x1024xf32> to vector<1024x1024xf32>
    %broadcast_in_dim3A_363 = vector.broadcast %jit3A_360 : f32 to vector<1024x1024xf32>
    %select_n3A_364 = arith.select %eq3A_359, %broadcast_in_dim3A_362, %broadcast_in_dim3A_363 : vector<1024x1024xi1>, vector<1024x1024xf32>
    %reduce_sum3A_365 = arith.constant dense<0.000000e+00> : vector<1024xf32>
    %reduce_sum3A_366 = vector.multi_reduction <add>, %select_n3A_364, %reduce_sum3A_365 [1] : vector<1024x1024xf32> to vector<1024xf32>
    %broadcast_in_dim3A_367 = vector.shape_cast %reduce_sum3A_366 : vector<1024xf32> to vector<1024x1xf32>
    %jit3A_368 = arith.constant 0x7F800000 : f32
    %broadcast_in_dim3A_369 = vector.broadcast %jit3A_368 : f32 to vector<1024x1024xf32>
    %select_n3A_370 = arith.select %eq3A_359, %broadcast_in_dim3A_369, %select_n3A_355 : vector<1024x1024xi1>, vector<1024x1024xf32>
    %argmin3A_371 = tpu.reduce_index %select_n3A_370 {axis = 1 : i32, kind = #tpu.reduction_kind<arg_min>} : vector<1024x1024xf32> -> vector<1024xi32>
    %broadcast_in_dim3A_372 = vector.shape_cast %argmin3A_371 : vector<1024xi32> to vector<1024x1xi32>
    %eq3A_373 = vector.broadcast %broadcast_in_dim3A_372 : vector<1024x1xi32> to vector<1024x1024xi32>
    %eq3A_374 = arith.cmpi eq, %iota3A_318, %eq3A_373 : vector<1024x1024xi32>
    %jit3A_375 = arith.constant 0.000000e+00 : f32
    %broadcast_in_dim3A_376 = vector.shape_cast %transpose3A_284 : vector<1x1024xf32> to vector<1x1024xf32>
    %broadcast_in_dim3A_377 = vector.broadcast %broadcast_in_dim3A_376 : vector<1x1024xf32> to vector<1024x1024xf32>
    %broadcast_in_dim3A_378 = vector.broadcast %jit3A_375 : f32 to vector<1024x1024xf32>
    %select_n3A_379 = arith.select %eq3A_374, %broadcast_in_dim3A_377, %broadcast_in_dim3A_378 : vector<1024x1024xi1>, vector<1024x1024xf32>
    %reduce_sum3A_380 = arith.constant dense<0.000000e+00> : vector<1024xf32>
    %reduce_sum3A_381 = vector.multi_reduction <add>, %select_n3A_379, %reduce_sum3A_380 [1] : vector<1024x1024xf32> to vector<1024xf32>
    %broadcast_in_dim3A_382 = vector.shape_cast %reduce_sum3A_381 : vector<1024xf32> to vector<1024x1xf32>
    %jit3A_383 = arith.constant 0x7F800000 : f32
    %broadcast_in_dim3A_384 = vector.broadcast %jit3A_383 : f32 to vector<1024x1024xf32>
    %select_n3A_385 = arith.select %eq3A_374, %broadcast_in_dim3A_384, %select_n3A_370 : vector<1024x1024xi1>, vector<1024x1024xf32>
    %argmin3A_386 = tpu.reduce_index %select_n3A_385 {axis = 1 : i32, kind = #tpu.reduction_kind<arg_min>} : vector<1024x1024xf32> -> vector<1024xi32>
    %broadcast_in_dim3A_387 = vector.shape_cast %argmin3A_386 : vector<1024xi32> to vector<1024x1xi32>
    %eq3A_388 = vector.broadcast %broadcast_in_dim3A_387 : vector<1024x1xi32> to vector<1024x1024xi32>
    %eq3A_389 = arith.cmpi eq, %iota3A_318, %eq3A_388 : vector<1024x1024xi32>
    %jit3A_390 = arith.constant 0.000000e+00 : f32
    %broadcast_in_dim3A_391 = vector.shape_cast %transpose3A_284 : vector<1x1024xf32> to vector<1x1024xf32>
    %broadcast_in_dim3A_392 = vector.broadcast %broadcast_in_dim3A_391 : vector<1x1024xf32> to vector<1024x1024xf32>
    %broadcast_in_dim3A_393 = vector.broadcast %jit3A_390 : f32 to vector<1024x1024xf32>
    %select_n3A_394 = arith.select %eq3A_389, %broadcast_in_dim3A_392, %broadcast_in_dim3A_393 : vector<1024x1024xi1>, vector<1024x1024xf32>
    %reduce_sum3A_395 = arith.constant dense<0.000000e+00> : vector<1024xf32>
    %reduce_sum3A_396 = vector.multi_reduction <add>, %select_n3A_394, %reduce_sum3A_395 [1] : vector<1024x1024xf32> to vector<1024xf32>
    %broadcast_in_dim3A_397 = vector.shape_cast %reduce_sum3A_396 : vector<1024xf32> to vector<1024x1xf32>
    %add3A_398 = arith.addf %broadcast_in_dim3A_337, %broadcast_in_dim3A_352 : vector<1024x1xf32>
    %add3A_399 = arith.addf %add3A_398, %broadcast_in_dim3A_367 : vector<1024x1xf32>
    %add3A_400 = arith.addf %add3A_399, %broadcast_in_dim3A_382 : vector<1024x1xf32>
    %add3A_401 = arith.addf %add3A_400, %broadcast_in_dim3A_397 : vector<1024x1xf32>
    %mul3A_402 = arith.constant 2.000000e-01 : f32
    %mul3A_403 = vector.broadcast %mul3A_402 : f32 to vector<1024x1xf32>
    %mul3A_404 = arith.mulf %add3A_401, %mul3A_403 : vector<1024x1xf32>
    %broadcast_in_dim3A_405 = arith.constant 0.000000e+00 : f32
    %broadcast_in_dim3A_406 = vector.broadcast %broadcast_in_dim3A_405 : f32 to vector<1024x1xf32>
    %sub3A_407 = arith.subf %broadcast_in_dim3A_337, %mul3A_404 : vector<1024x1xf32>
    %mul3A_408 = arith.mulf %sub3A_407, %sub3A_407 : vector<1024x1xf32>
    %add3A_409 = arith.addf %broadcast_in_dim3A_406, %mul3A_408 : vector<1024x1xf32>
    %sub3A_410 = arith.subf %broadcast_in_dim3A_352, %mul3A_404 : vector<1024x1xf32>
    %mul3A_411 = arith.mulf %sub3A_410, %sub3A_410 : vector<1024x1xf32>
    %add3A_412 = arith.addf %add3A_409, %mul3A_411 : vector<1024x1xf32>
    %sub3A_413 = arith.subf %broadcast_in_dim3A_367, %mul3A_404 : vector<1024x1xf32>
    %mul3A_414 = arith.mulf %sub3A_413, %sub3A_413 : vector<1024x1xf32>
    %add3A_415 = arith.addf %add3A_412, %mul3A_414 : vector<1024x1xf32>
    %sub3A_416 = arith.subf %broadcast_in_dim3A_382, %mul3A_404 : vector<1024x1xf32>
    %mul3A_417 = arith.mulf %sub3A_416, %sub3A_416 : vector<1024x1xf32>
    %add3A_418 = arith.addf %add3A_415, %mul3A_417 : vector<1024x1xf32>
    %sub3A_419 = arith.subf %broadcast_in_dim3A_397, %mul3A_404 : vector<1024x1xf32>
    %mul3A_420 = arith.mulf %sub3A_419, %sub3A_419 : vector<1024x1xf32>
    %add3A_421 = arith.addf %add3A_418, %mul3A_420 : vector<1024x1xf32>
    %mul3A_422 = arith.constant 2.500000e-01 : f32
    %mul3A_423 = vector.broadcast %mul3A_422 : f32 to vector<1024x1xf32>
    %mul3A_424 = arith.mulf %add3A_421, %mul3A_423 : vector<1024x1xf32>
    %sub3A_425 = arith.subf %div3A_261, %mul3A_404 : vector<1024x1xf32>
    %abs3A_426 = math.absf %sub3A_425 : vector<1024x1xf32>
    %lt3A_427 = arith.constant 1.000000e+01 : f32
    %lt3A_428 = vector.broadcast %lt3A_427 : f32 to vector<1024x1xf32>
    %lt3A_429 = arith.cmpf olt, %abs3A_426, %lt3A_428 : vector<1024x1xf32>
    %mul3A_430 = arith.constant 5.000000e-01 : f32
    %mul3A_431 = vector.broadcast %mul3A_430 : f32 to vector<1024x1xf32>
    %mul3A_432 = arith.mulf %mul3A_431, %abs3A_426 : vector<1024x1xf32>
    %mul3A_433 = arith.mulf %mul3A_432, %abs3A_426 : vector<1024x1xf32>
    %div3A_434 = arith.constant 1.000000e+01 : f32
    %div3A_435 = vector.broadcast %div3A_434 : f32 to vector<1024x1xf32>
    %div3A_436 = arith.divf %mul3A_433, %div3A_435 : vector<1024x1xf32>
    %mul3A_437 = arith.constant 5.000000e-01 : f32
    %mul3A_438 = arith.constant 1.000000e+01 : f32
    %mul3A_439 = arith.mulf %mul3A_437, %mul3A_438 : f32
    %sub3A_440 = vector.broadcast %mul3A_439 : f32 to vector<1024x1xf32>
    %sub3A_441 = arith.subf %abs3A_426, %sub3A_440 : vector<1024x1xf32>
    %select_n3A_442 = arith.select %lt3A_429, %div3A_436, %sub3A_441 : vector<1024x1xi1>, vector<1024x1xf32>
    %convert_element_type3A_443 = arith.extui %and3A_280 : vector<1024x1xi1> to vector<1024x1xi32>
    %convert_element_type3A_444 = arith.sitofp %convert_element_type3A_443 : vector<1024x1xi32> to vector<1024x1xf32>
    %reduce_sum3A_445 = vector.shape_cast %convert_element_type3A_444 : vector<1024x1xf32> to vector<1x1024x1xf32>
    %reduce_sum3A_446 = arith.constant dense<0.000000e+00> : vector<1xf32>
    %reduce_sum3A_447 = vector.multi_reduction <add>, %reduce_sum3A_445, %reduce_sum3A_446 [1, 2] : vector<1x1024x1xf32> to vector<1xf32>
    %reduce_sum3A_448 = vector.shape_cast %reduce_sum3A_447 : vector<1xf32> to vector<1x1x1xf32>
    %reduce_sum3A_449 = vector.extract %reduce_sum3A_448[0, 0, 0] : f32 from vector<1x1x1xf32>
    %max3A_450 = arith.constant 1.000000e+00 : f32
    %max3A_451 = arith.maximumf %reduce_sum3A_449, %max3A_450 : f32
    %mul3A_452 = arith.mulf %mul3A_424, %convert_element_type3A_444 : vector<1024x1xf32>
    %reduce_sum3A_453 = vector.shape_cast %mul3A_452 : vector<1024x1xf32> to vector<1x1024x1xf32>
    %reduce_sum3A_454 = arith.constant dense<0.000000e+00> : vector<1xf32>
    %reduce_sum3A_455 = vector.multi_reduction <add>, %reduce_sum3A_453, %reduce_sum3A_454 [1, 2] : vector<1x1024x1xf32> to vector<1xf32>
    %reduce_sum3A_456 = vector.shape_cast %reduce_sum3A_455 : vector<1xf32> to vector<1x1x1xf32>
    %reduce_sum3A_457 = vector.extract %reduce_sum3A_456[0, 0, 0] : f32 from vector<1x1x1xf32>
    %div3A_458 = arith.divf %reduce_sum3A_457, %max3A_451 : f32
    %mul3A_459 = arith.mulf %select_n3A_442, %convert_element_type3A_444 : vector<1024x1xf32>
    %reduce_sum3A_460 = vector.shape_cast %mul3A_459 : vector<1024x1xf32> to vector<1x1024x1xf32>
    %reduce_sum3A_461 = arith.constant dense<0.000000e+00> : vector<1xf32>
    %reduce_sum3A_462 = vector.multi_reduction <add>, %reduce_sum3A_460, %reduce_sum3A_461 [1, 2] : vector<1x1024x1xf32> to vector<1xf32>
    %reduce_sum3A_463 = vector.shape_cast %reduce_sum3A_462 : vector<1xf32> to vector<1x1x1xf32>
    %reduce_sum3A_464 = vector.extract %reduce_sum3A_463[0, 0, 0] : f32 from vector<1x1x1xf32>
    %div3A_465 = arith.divf %reduce_sum3A_464, %max3A_451 : f32
    %ge3A_466 = arith.constant 1.000000e+01 : f32
    %ge3A_467 = arith.cmpf oge, %reduce_sum3A_449, %ge3A_466 : f32
    %convert_element_type3A_468 = arith.extui %ge3A_467 : i1 to i32
    %convert_element_type3A_469 = arith.sitofp %convert_element_type3A_468 : i32 to f32
    %mul3A_470 = arith.constant 1.000000e-01 : f32
    %mul3A_471 = arith.mulf %mul3A_470, %div3A_458 : f32
    %add3A_472 = arith.addf %div3A_465, %mul3A_471 : f32
    %mul3A_473 = arith.mulf %convert_element_type3A_469, %add3A_472 : f32
    %add3A_474 = arith.addf %add3A_224, %mul3A_473 : f32
    %add3A_475 = arith.addf %add3A_226, %convert_element_type3A_469 : f32
    %gt3A_476 = arith.constant 0.000000e+00 : f32
    %gt3A_477 = arith.cmpf ogt, %add3A_475, %gt3A_476 : f32
    %max3A_478 = arith.constant 1.000000e+00 : f32
    %max3A_479 = arith.maximumf %add3A_475, %max3A_478 : f32
    %div3A_480 = arith.divf %add3A_474, %max3A_479 : f32
    %jit3A_481 = arith.constant 0.000000e+00 : f32
    %select_n3A_482 = arith.select %gt3A_477, %div3A_480, %jit3A_481 : f32
    %swap3A = arith.constant 0 : index
    %swap3A_483 = arith.constant 0 : index
    %swap3A_484 = memref.load %arg6[%swap3A, %swap3A_483] : memref<1x1xf32, #tpu.memory_space<smem>>
    memref.store %select_n3A_482, %arg6[%swap3A, %swap3A_483] : memref<1x1xf32, #tpu.memory_space<smem>>
    return
  }
}

</mosaic_0001>

<sc_bundles>
// kernel: kernel.4.cloned.1.call-start
scs
__scs_entry_jumppad:
0x0: {  	(pc) =	sbr.rel $0x88, $3  }
0x1: {  	(tag) =	ssettag $0x0;
	lr =	simm.s32 $0x1  }
0x2: {  	[smem:$0x3F9B] =	sst lr;
	_ =	strace $0xD0000000  }
0x3: {  	_ = 	snop  }
0x4: {  	_ = 	snop  }
0x5: {  	_ = 	snop  }
0x6: {  	_ = 	snop  }
0x7: {  	_ = 	snop  }
__scs_overlays_trampoline_lowered:
0x8: {  	[smem:$0x3FAA] =	sst s0  }
0x9: {  	[smem:$0x3FAB] =	sst s1  }
0xa: {  	[smem:$0x3FAC] =	sst s2  }
0xb: {  	[smem:$0x3FAD] =	sst s3  }
0xc: {  	[smem:$0x3FAE] =	sst s4  }
0xd: {  	[smem:$0x3FAF] =	sst s5  }
0xe: {  	[smem:$0x3FB0] =	sst s6  }
0xf: {  	[smem:$0x3FB1] =	sst s7  }
0x10: {  	[smem:$0x3FB2] =	sst s8  }
0x11: {  	[smem:$0x3FB3] =	sst s9;
	s0 =	simm.s32 @!p0 $0x0  }
0x12: {  	s1 =	sld [smem:$0x3F99];
	s0 =	simm.s32 @p0 $0x1  }
0x13: {  	[smem:$0x3FB4] =	sst s0;
	s0 =	simm.s32 @!p1 $0x0  }
0x14: {  	s2 =	sld [smem:$0x3F98];
	s0 =	simm.s32 @p1 $0x1  }
0x15: {  	[smem:$0x3FB5] =	sst s0;
	s0 =	simm.s32 @!p2 $0x0  }
0x16: {  	s3 =	sld [smem:$0x3FDB];
	s0 =	simm.s32 @p2 $0x1  }
0x17: {  	s4 =	simm.s32 $0x1BF5;
	[smem:$0x3FB7] =	sst s0  }
0x18: {  	s0 =	sld [smem:$0x3F9A];
	_ =	swait.ge [sflag:s4], $0x0  }
0x19: {  	s7 =	sld [smem:$0x3F9B]  }
0x1a: {  	s8 =	sadd.s32 $0xFFFFE003, lr  }
0x1b: {  	s9 =	sadd.s32 $0xFFFFFEF7, lr;
	s5 =	simm.s32 $0xFFFFFFFF;
	p2 =	slt.u32 s8, $0xFFFFF086  }
0x1c: {  	p1 =	slt.u32 s9, $0xF7A;
	s5 =	simm.s32 @!p2 $0x0  }
0x1d: {  	s5 =	simm.s32 @p1 $0x1;
	p0 =	seq.s32 s7, s2  }
0x1e: {  	s7 =	smul.u32 @!p0 $0xF7A, s2;
	p2 =	seq.s32 @!p0 s5, $0x0  }
0x1f: {  	s9 =	smul.u32 $0xF7A, s1;
	s8 =	simm.s32 @!p0 $0x1BF5;
	p2 =	por !p2, p0  }
0x20: {  	[sflag:s8] =	ssyncset.s32 @!p0 $0xFFFFF086;
	s6 =	sadd.s32 @!p0 s3, s7;
	s7 =	simm.s32 @!p0 $0x108  }
0x21: {  	s3 =	sadd.s32 s3, s9;
	s6 =	sadd.s32 @!p0 $0x88, s6;
	s7 =	simm.s32 @p2 $0x1082  }
0x22: {  	[simem:s7], [sflag:s8] =	dma.local @!p0 [hbm:s6], $0xF7A  }
0x23: {  	s9 =	sor.u32 $0xD0000000, s2;
	s6 =	simm.s32 $0x108;
	_ =	swait.ge @!p0 [sflag:s8], $0x0  }
0x24: {  	s3 =	sadd.s32 $0x88, s3;
	s6 =	simm.s32 @!p1 $0x1082;
	[sflag:s4] =	ssyncset.s32 $0xFFFFF086  }
0x25: {  	[simem:s6], [sflag:s4] =	dma.local [hbm:s3], $0xF7A  }
0x26: {  	[smem:$0x3F9B] =	sst s1;
	(tag) =	ssettag s2;
	_ =	strace s9  }
0x27: {  	s1 =	sld [smem:$0x3FAB]  }
0x28: {  	s2 =	sld [smem:$0x3FAC]  }
0x29: {  	s4 =	sld [smem:$0x3FAE]  }
0x2a: {  	p0 =	seq.s32 s5, $0x0;
	s5 =	sld [smem:$0x3FAF]  }
0x2b: {  	s6 =	sld [smem:$0x3FB0]  }
0x2c: {  	s7 =	sld [smem:$0x3FB1]  }
0x2d: {  	s3 =	simm.s32 $0x108;
	s8 =	sld [smem:$0x3FB2]  }
0x2e: {  	s3 =	simm.s32 @!p0 $0x1082;
	s9 =	sld [smem:$0x3FB3]  }
0x2f: {  	lr =	sadd.s32 s0, s3;
	s0 =	sld [smem:$0x3FAA]  }
0x30: {  	s3 =	sld [smem:$0x3FAD]  }
0x31: {  	[smem:$0x3FB6] =	sst s10  }
0x32: {  	s10 =	sld [smem:$0x3FB4];
	_ =	sdelay $0x3  }
0x33: {  	p0 =	seq.s32 s10, $0x1;
	s10 =	sld [smem:$0x3FB6];
	_ =	sdelay $0x3  }
0x34: {  	[smem:$0x3FB6] =	sst s10  }
0x35: {  	s10 =	sld [smem:$0x3FB5];
	_ =	sdelay $0x3  }
0x36: {  	p1 =	seq.s32 s10, $0x1;
	s10 =	sld [smem:$0x3FB6];
	_ =	sdelay $0x3  }
0x37: {  	[smem:$0x3FB6] =	sst s10  }
0x38: {  	s10 =	sld [smem:$0x3FB7]  }
0x39: {  	_ = 	snop;
	(pc) =	sbr.ind lr, $3  }
0x3a: {  	_ = 	snop  }
0x3b: {  	_ = 	snop  }
0x3c: {  	p2 =	seq.s32 s10, $0x1;
	s10 =	sld [smem:$0x3FB6]  }
0x3d: {  	_ =	shalt  }
0x3e: {  	_ =	shalt  }
0x3f: {  	_ =	shalt  }
0x40: {  	_ =	shalt  }
0x41: {  	_ =	shalt  }
0x42: {  	_ =	shalt  }
0x43: {  	_ =	shalt  }
0x44: {  	_ =	shalt  }
0x45: {  	_ =	shalt  }
0x46: {  	_ =	shalt  }
0x47: {  	_ =	shalt  }
0x48: {  	_ =	shalt  }
0x49: {  	_ =	shalt  }
0x4a: {  	_ =	shalt  }
0x4b: {  	_ =	shalt  }
0x4c: {  	_ =	shalt  }
0x4d: {  	_ =	shalt  }
0x4e: {  	_ =	shalt  }
0x4f: {  	_ =	shalt  }
0x50: {  	_ =	shalt  }
0x51: {  	_ =	shalt  }
0x52: {  	_ =	shalt  }
0x53: {  	_ =	shalt  }
0x54: {  	_ =	shalt  }
0x55: {  	_ =	shalt  }
0x56: {  	_ =	shalt  }
0x57: {  	_ =	shalt  }
0x58: {  	_ =	shalt  }
0x59: {  	_ =	shalt  }
0x5a: {  	_ =	shalt  }
0x5b: {  	_ =	shalt  }
0x5c: {  	_ =	shalt  }
0x5d: {  	_ =	shalt  }
0x5e: {  	_ =	shalt  }
0x5f: {  	_ =	shalt  }
0x60: {  	_ =	shalt  }
0x61: {  	_ =	shalt  }
0x62: {  	_ =	shalt  }
0x63: {  	_ =	shalt  }
0x64: {  	_ =	shalt  }
0x65: {  	_ =	shalt  }
0x66: {  	_ =	shalt  }
0x67: {  	_ =	shalt  }
0x68: {  	_ =	shalt  }
0x69: {  	_ =	shalt  }
0x6a: {  	_ =	shalt  }
0x6b: {  	_ =	shalt  }
0x6c: {  	_ =	shalt  }
0x6d: {  	_ =	shalt  }
0x6e: {  	_ =	shalt  }
0x6f: {  	_ =	shalt  }
0x70: {  	_ =	shalt  }
0x71: {  	_ =	shalt  }
0x72: {  	_ =	shalt  }
0x73: {  	_ =	shalt  }
0x74: {  	_ =	shalt  }
0x75: {  	_ =	shalt  }
0x76: {  	_ =	shalt  }
0x77: {  	_ =	shalt  }
0x78: {  	_ =	shalt  }
0x79: {  	_ =	shalt  }
0x7a: {  	_ =	shalt  }
0x7b: {  	_ =	shalt  }
0x7c: {  	_ =	shalt  }
0x7d: {  	_ =	shalt  }
0x7e: {  	_ =	shalt  }
0x7f: {  	_ =	shalt  }
0x80: {  	_ =	shalt  }
0x81: {  	_ =	shalt  }
0x82: {  	_ =	shalt  }
0x83: {  	_ =	shalt  }
0x84: {  	_ =	shalt  }
0x85: {  	_ =	shalt  }
0x86: {  	_ =	shalt  }
0x87: {  	_ =	shalt  }
.Lfunc_end0:
.L_simem_size_0:
called_computation_lowered:
.L_overlay_start_0:
0x88: {  	s2 =	sld [smem:$0x3FD9]  }
0x89: {  	s3 =	sld [smem:$0x3FFE];
	_ =	sdelay $0x1  }
0x8a: {  	s1 =	srdreg.scid  }
0x8b: {  	s0 =	sand.u32 $0x1, s1  }
0x8c: {  	s16 =	sshll.u32 s0, $0xA;
	s2 =	sadd.s32 s3, s2  }
0x8d: {  	s2 =	sadd.s32 s2, s16  }
0x8e: {  	[smem:$0x3FC2] =	sst s2  }
0x8f: {  	_ = 	snop  }
0x90: {  	(tm) =	ssettm $0x1  }
0x91: {  	s17 =	sld [smem:$0x3FFB];
	_ =	sdelay $0x3  }
0x92: {  	_ =	strace s17  }
0x93: {  	s2 =	sld [smem:$0x3FFC];
	_ =	sdelay $0x3  }
0x94: {  	_ =	strace s2  }
0x95: {  	s2 =	sld [smem:$0x3FFD];
	_ =	sdelay $0x3  }
0x96: {  	_ =	strace s2  }
0x97: {  	_ =	strace $0x8FFFFFFF  }
0x98: {  	s18 =	sld [smem:$0x3FDB];
	_ =	sdelay $0x1  }
0x99: {  	s19 =	simm.s32 $_scs_section_size  }
0x9a: {  	s4 =	simm.s32 $_size__tile_overlayer_lowered;
	s5 =	simm.s32 $_tile_overlayer_lowered  }
0x9b: {  	s22 =	simm.s32 $0x1BFF;
	s21 =	sshll.u32 s5, $0x1;
	s2 =	sadd.s32 s19, s18  }
0x9c: {  	s6 =	simm.s32 $0x0;
	s20 =	sshll.u32 s4, $0x1;
	s4 =	sadd.s32 s21, s2  }
0x9d: {  	[timem:s6], [sflag:s22] =	dma.local [hbm:s4], s20  }
0x9e: {  	_ =	swait.ge [sflag:s22], s20  }
0x9f: {  	s3 =	ssub.s32 $0x0, s20;
	[sflag:s22] =	ssyncset.done $0x0  }
0xa0: {  	[sflag:s22] =	ssyncadd.s32 s3;
	_ =	sdelay $0x1  }
0xa1: {  	s23 =	simm.s32 $0x1B8B  }
0xa2: {  	_ =	swait.ge [sflag:s23], $0x1  }
0xa3: {  	[sflag:s23] =	ssyncset.done $0x0  }
0xa4: {  	s25 =	simm.s32 $0x1B8E;
	s24 =	sld [smem:$0x3FFE];
	[sflag:s23] =	ssyncadd.s32 $0xFFFFFFFF  }
0xa5: {  	s26 =	simm.s32 $execute0_lowered;
	[smem:$0x3FD2] =	sst s25  }
0xa6: {  	s4 =	sshll.u32 s26, $0x1;
	_ =	strace $0x80000046;
	[dreg:$0x1] =	wrdreg $0xFFFFFFFF  }
0xa7: {  	s28 =	simm.s32 $_size_execute0_lowered;
	s2 =	sadd.s32 s2, s4;
	[dreg:$0x0] =	wrdreg $0x0  }
0xa8: {  	s4 =	sshll.u32 s28, $0x1;
	[dreg:$0x2] =	wrdreg s2  }
0xa9: {  	[dreg:$0x3] =	wrdreg s4  }
0xaa: {  	[dreg:$0x4] =	wrdreg $0xC0  }
0xab: {  	_ =	task [dreg:s6], $0x5FFFF  }
0xac: {  	[dreg:$0x1] =	wrdreg $0xFFFFFFFF  }
0xad: {  	[dreg:$0x0] =	wrdreg $0x60  }
0xae: {  	[dreg:$0x2] =	wrdreg s24  }
0xaf: {  	[dreg:$0x3] =	wrdreg $0x9  }
0xb0: {  	_ =	task.clear_ibuf [dreg:s6], $0x4FFFF;
	_ =	strace $0x90000046  }
0xb1: {  	s29 =	simm.s32 $0x9;
	_ =	strace $0x80000048  }
0xb2: {  	_ =	swait.ge [sflag:s29], $0x1  }
0xb3: {  	[sflag:s29] =	ssyncadd.s32 $0xFFFFFFFF  }
0xb4: {  	_ =	strace $0x90000048  }
0xb5: {  	_ =	sfence  }
0xb6: {  	s30 =	sld [smem:$0x0];
	_ =	sdelay $0x2  }
0xb7: {  	s31 =	sshll.u32 s1, $0xD;
	s1 =	sshrl.u32 s1, $0x2  }
0xb8: {  	s3 =	sand.u32 $0x4000, s31;
	s1 =	sadd.s32 s1, s30  }
0xb9: {  	s0 =	sor.u32 s3, s0;
	s1 =	sshll.u32 s1, $0x11  }
0xba: {  	s0 =	sor.u32 s1, s0  }
0xbb: {  	s0 =	sadd.s32 $0x8F2B, s0  }
0xbc: {  	[sflag:s0] =	ssyncadd.remote.s32 $0x1  }
0xbd: {  	_ =	sfence.sel $0xFFFF  }
0xbe: {  	[dreg:$0x0] =	wrdreg $0xFFFFFFFF;
	(pc) =	sbr.abs _section_cstart, $3  }
0xbf: {  	[dreg:$0x1] =	wrdreg $0xFFFFFFFF  }
0xc0: {  	_ =	task.clear_ibuf [dreg:s6], $0x2FFFF;
	_ =	strace $0x9FFFFFFF  }
0xc1: {  	(tm) =	ssettm $0x7FFFFFFF  }
tec
execute0_lowered:
.L_overlay_start_1:
0x0: {  	(tag) =	ssettag $0x1  }
0x1: {  	s5 =	rddreg [dreg:$0x0]  }
0x2: {  	s0 =	rddreg [dreg:$0x1];
	s3 =	srdreg.scid  }
0x3: {  	s1 =	stileid.u32;
	s2 =	simm.s32 $0x0;
	s12 =	simm.s32 $0x80  }
0x4: {  	s13 =	simm.s32 $0x100;
	s14 =	simm.s32 $0x180;
	s15 =	simm.s32 $0x580  }
0x5: {  	s16 =	simm.s32 $0x680;
	s17 =	simm.s32 $0x1;
	s18 =	simm.s32 $0x200  }
0x6: {  	s19 =	simm.s32 $0x480;
	s20 =	simm.s32 $0x380;
	s21 =	simm.s32 $0x280  }
0x7: {  	s22 =	simm.s32 $0x400;
	s23 =	simm.s32 $0x300;
	s10 =	sshll.u32 s1, $0x7  }
0x8: {  	s24 =	simm.s32 $0x500;
	s25 =	simm.s32 $0x780;
	s10 =	sand.u32 $0x400, s10  }
0x9: {  	s26 =	simm.s32 $0x0;
	s6 =	sand.u32 $0x1, s3;
	s30 =	sshll.u32 s1, $0x1;
	v0 =	vmov s10  }
0xa: {  	[smem:$0x7FF] =	sst s2;
	s3 =	sadd.s32 $0x800, s5;
	s4 =	sadd.s32 $0x50800, s5;
	v0 =	vmul.u32 $0x50, v0  }
0xb: {  	v2 =	vlaneseq.u32;
	s7 =	sor.u32 s6, s30;
	_ =	strace $0x80000047;
	s6 =	ssub.s32 $0x2, s6  }
0xc: {  	v1 =	vmul.u32 $0x50, v2;
	s8 =	sshll.u32 s7, $0x1;
	s31 =	sshrl.u32 s6, $0x1;
	s7 =	sshll.u32 s7, $0x3;
	v0 =	vbroadcast v0, $0x0  }
0xd: {  	v63 =	vadd.s32 $0x1, v2;
	s9 =	sadd.s32 s8, s5;
	s11 =	ssub.s32 s6, s31;
	s5 =	sadd.s32 s5, s7  }
0xe: {  	[tilespmem:$0x1FFF0] =	vst v63;
	s6 =	sadd.s32 $0x600, s5;
	s7 =	sadd.s32 $0x400, s5;
	s8 =	sadd.s32 $0x200, s5;
	v0 =	vor.u32 v1, v0  }
0xf: {  	vm0 =	vmmov $0xffff;
	vm1 =	vmmov $0x7ff;
	s9 =	sadd.s32 $0xA0800, s9;
	s10 =	smax.u32 s11, $0x1;
	s11 =	simm.s32 $0x2;
	[tilespmem:$0x1FFE0] =	vst v0  }
.LBB2_1:
0x10: {  	[tilespmem:s2], [sflag:$0x2] =	stream.linear.gather [hbm4b:s6+s2], $0x40, $0x38;
	[tilespmem:$0x790] =	vst v63  }
0x11: {  	_ =	swait.ge [sflag:s11], $0x40  }
0x12: {  	[sflag:s11] =	ssyncset.done $0x0  }
0x13: {  	[sflag:s11] =	ssyncadd.s32 $0xFFFFFFC0  }
0x14: {  	[tilespmem:s12], [sflag:$0x2] =	stream.linear.gather [hbm4b:s7+s2], $0x40, $0x38;
	[tilespmem:$0x790] =	vst v63  }
0x15: {  	_ =	swait.ge [sflag:s11], $0x40  }
0x16: {  	[sflag:s11] =	ssyncset.done $0x0  }
0x17: {  	[sflag:s11] =	ssyncadd.s32 $0xFFFFFFC0  }
0x18: {  	[tilespmem:s13], [sflag:$0x2] =	stream.linear.gather [hbm4b:s8+s2], $0x40, $0x38;
	[tilespmem:$0x790] =	vst v63  }
0x19: {  	_ =	swait.ge [sflag:s11], $0x40  }
0x1a: {  	[sflag:s11] =	ssyncset.done $0x0  }
0x1b: {  	[sflag:s11] =	ssyncadd.s32 $0xFFFFFFC0  }
0x1c: {  	[tilespmem:s14], [sflag:$0x2] =	stream.linear.gather [hbm4b:s5+s2], $0x40, $0x38;
	[tilespmem:$0x790] =	vst v63  }
0x1d: {  	_ =	swait.ge [sflag:s11], $0x40  }
0x1e: {  	v0 =	vld [tilespmem:$0x1FFE0];
	_ =	sdelay $0x5  }
0x1f: {  	[sflag:s11] =	ssyncset.done $0x0  }
0x20: {  	[sflag:s11] =	ssyncadd.s32 $0xFFFFFFC0  }
0x21: {  	[tilespmem:s15], [sflag:$0x1] =	stream.indirect_vreg.gather [hbm4b:s3+s2], $0x10, v0, vm0, $0xb8;
	[tilespmem:$0x790] =	vst v63  }
0x22: {  	_ = 	snop  }
0x23: {  	[tilespmem:s16], [sflag:$0x1] =	stream.indirect_vreg.gather [hbm4b:s4+s2], $0x10, v0, vm0, $0xb8;
	[tilespmem:$0x790] =	vst v63  }
0x24: {  	v0 =	vld [tilespmem:$0x0]  }
0x25: {  	v1 =	vld [tilespmem:$0x100]  }
0x26: {  	v2 =	vld [tilespmem:$0x80];
	_ =	sdelay $0x2  }
0x27: {  	v10 =	vld [tilespmem:$0x180]  }
0x28: {  	v3 =	vsub.f32 v0, v1  }
0x29: {  	v6 =	vld [tilespmem:$0x10];
	v4 =	vtrunc.f32 v2  }
0x2a: {  	v7 =	vld [tilespmem:$0x90];
	v8 =	vtrunc.f32 v0;
	v4 =	vcvt.f32.s32 v4;
	v5 =	vadd.f32 $1.000000000e+00, v3  }
0x2b: {  	v15 =	vimm.f32 $0.0e+00;
	v9 =	vld [tilespmem:$0x110];
	v8 =	vcvt.f32.s32 v8  }
0x2c: {  	vm4 =	vgt.f32 v10, $1.000000010e-01;
	v11 =	vcvt.s32.f32 v4;
	v5 =	vtrunc.f32 v5  }
0x2d: {  	v4 =	vadd.s32 $0xFFFFFFFB, v4;
	v12 =	vcvt.s32.f32 v8;
	v5 =	vcvt.f32.s32 v5  }
0x2e: {  	vm5 =	vgt.f32 v1, $1.000000010e-01;
	v8 =	vadd.s32 $0xFFFFFFFB, v8;
	[tilespmem:$0x480] =	vst v4;
	v2 =	vsub.f32 v2, v11  }
0x2f: {  	v10 =	vtrunc.f32 v6;
	[tilespmem:$0x380] =	vst v8;
	v0 =	vsub.f32 v0, v12;
	v13 =	vadd.s32 $0xFFFFFFFF, v5  }
0x30: {  	v14 =	vld [tilespmem:$0x20];
	v12 =	vtrunc.f32 v7;
	[tilespmem:$0x200] =	vst v2;
	v11 =	vcvt.s32.f32 v13;
	v13 =	vsub.f32 v6, v9  }
0x31: {  	vm4 =	vmand vm5, vm4;
	v4 =	vadd.s32 $0xFFFFFFFA, v5;
	v5 =	vcvt.f32.s32 v12;
	v2 =	vld [tilespmem:$0x120];
	[tilespmem:$0x280] =	vst v0  }
0x32: {  	v0 =	vcvt.f32.s32 v10;
	v10 =	vsel vm4, $0x3F800000, v15;
	[tilespmem:$0x400] =	vst v4;
	v4 =	vld [tilespmem:$0x190];
	v1 =	vadd.f32 $1.000000000e+00, v13  }
0x33: {  	[tilespmem:$0x1FD50] =	vst v10;
	v8 =	vcvt.s32.f32 v5;
	v3 =	vsub.f32 v3, v11  }
0x34: {  	[tilespmem:$0x500] =	vst v10;
	v11 =	vld [tilespmem:$0xA0];
	v1 =	vtrunc.f32 v1  }
0x35: {  	[tilespmem:$0x300] =	vst v3;
	v3 =	vadd.s32 $0xFFFFFFFB, v5;
	v5 =	vsub.f32 v7, v8;
	v7 =	vcvt.s32.f32 v0  }
0x36: {  	vm11 =	vgt.f32 v9, $1.000000010e-01;
	v12 =	vsub.f32 v14, v2;
	v1 =	vcvt.f32.s32 v1;
	[tilespmem:$0x490] =	vst v3  }
0x37: {  	v0 =	vadd.s32 $0xFFFFFFFB, v0;
	vm10 =	vgt.f32 v4, $1.000000010e-01;
	[tilespmem:$0x210] =	vst v5;
	v5 =	vsub.f32 v6, v7  }
0x38: {  	[tilespmem:$0x390] =	vst v0;
	v4 =	vld [tilespmem:$0x130];
	v6 =	vadd.f32 $1.000000000e+00, v12;
	vm4 =	vmand vm11, vm10;
	v8 =	vadd.s32 $0xFFFFFFFF, v1  }
0x39: {  	v7 =	vld [tilespmem:$0xB0];
	v10 =	vtrunc.f32 v11;
	v1 =	vadd.s32 $0xFFFFFFFA, v1;
	v3 =	vcvt.s32.f32 v8;
	[tilespmem:$0x290] =	vst v5  }
0x3a: {  	v9 =	vsel vm4, $0x3F800000, v15;
	v8 =	vcvt.f32.s32 v10;
	v10 =	vld [tilespmem:$0x30];
	v6 =	vtrunc.f32 v6;
	[tilespmem:$0x410] =	vst v1  }
0x3b: {  	v5 =	vtrunc.f32 v14;
	v1 =	vld [tilespmem:$0x1A0];
	[tilespmem:$0x1FD60] =	vst v9;
	v6 =	vcvt.f32.s32 v6;
	v0 =	vsub.f32 v13, v3  }
0x3c: {  	[tilespmem:$0x510] =	vst v9;
	v5 =	vcvt.f32.s32 v5;
	v3 =	vcvt.s32.f32 v8  }
0x3d: {  	vm13 =	vgt.f32 v2, $1.000000010e-01;
	v9 =	vadd.s32 $0xFFFFFFFF, v6;
	[tilespmem:$0x310] =	vst v0;
	v0 =	vadd.s32 $0xFFFFFFFB, v8  }
0x3e: {  	v3 =	vsub.f32 v11, v3;
	v8 =	vadd.s32 $0xFFFFFFFB, v5;
	v5 =	vcvt.s32.f32 v5;
	[tilespmem:$0x4A0] =	vst v0  }
0x3f: {  	v0 =	vcvt.s32.f32 v9;
	v9 =	vtrunc.f32 v7;
	v11 =	vsub.f32 v10, v4;
	[tilespmem:$0x3A0] =	vst v8  }
0x40: {  	vm12 =	vgt.f32 v1, $1.000000010e-01;
	[tilespmem:$0x220] =	vst v3;
	v3 =	vsub.f32 v14, v5;
	v5 =	vadd.s32 $0xFFFFFFFA, v6  }
0x41: {  	v6 =	vcvt.f32.s32 v9;
	vm4 =	vmand vm13, vm12;
	[tilespmem:$0x420] =	vst v5  }
0x42: {  	v1 =	vadd.f32 $1.000000000e+00, v11;
	v5 =	vsel vm4, $0x3F800000, v15;
	[tilespmem:$0x2A0] =	vst v3  }
0x43: {  	v0 =	vsub.f32 v12, v0;
	v2 =	vcvt.s32.f32 v6;
	v3 =	vtrunc.f32 v10;
	[tilespmem:$0x1FD70] =	vst v5  }
0x44: {  	[tilespmem:$0x520] =	vst v5;
	v3 =	vcvt.f32.s32 v3;
	v1 =	vtrunc.f32 v1  }
0x45: {  	v5 =	vadd.s32 $0xFFFFFFFB, v6;
	[tilespmem:$0x320] =	vst v0;
	v0 =	vld [tilespmem:$0x1B0];
	v1 =	vcvt.f32.s32 v1;
	v2 =	vsub.f32 v7, v2  }
0x46: {  	[tilespmem:$0x4B0] =	vst v5;
	v6 =	vcvt.s32.f32 v3  }
0x47: {  	v5 =	vadd.s32 $0xFFFFFFFF, v1;
	[tilespmem:$0x230] =	vst v2;
	v2 =	vadd.s32 $0xFFFFFFFB, v3  }
0x48: {  	v1 =	vadd.s32 $0xFFFFFFFA, v1;
	v3 =	vsub.f32 v10, v6;
	v5 =	vcvt.s32.f32 v5;
	[tilespmem:$0x3B0] =	vst v2  }
0x49: {  	vm15 =	vgt.f32 v4, $1.000000010e-01;
	[tilespmem:$0x430] =	vst v1  }
0x4a: {  	vm14 =	vgt.f32 v0, $1.000000010e-01;
	v0 =	vimm.f32 $0.0e+00;
	[tilespmem:$0x2B0] =	vst v3;
	v2 =	vsub.f32 v11, v5  }
0x4b: {  	vm4 =	vmand vm15, vm14;
	[tilespmem:$0x1FD80] =	vst v0  }
0x4c: {  	v0 =	vsel vm4, $0x3F800000, v15;
	[tilespmem:$0x330] =	vst v2  }
0x4d: {  	[tilespmem:$0x1FD90] =	vst v0  }
0x4e: {  	[tilespmem:$0x530] =	vst v0  }
0x4f: {  	_ =	swait.ge [sflag:s17], $0x100  }
0x50: {  	v57 =	vmov s2;
	[sflag:s17] =	ssyncset.done $0x0  }
0x51: {  	[sflag:s17] =	ssyncadd.s32 $0xFFFFFF00  }
0x52: {  	_ =	swait.ge [sflag:s17], $0x100  }
0x53: {  	[sflag:s17] =	ssyncset.done $0x0  }
0x54: {  	[sflag:s17] =	ssyncadd.s32 $0xFFFFFF00  }
0x55: {  	v0 =	vld.idx.msk [tilespmem:v57+s19+$0x0], $0xffff  }
0x56: {  	v9 =	vld.idx.msk [tilespmem:v57+s18+$0x0], $0xffff;
	_ =	sdelay $0x1  }
0x57: {  	v18 =	vld [tilespmem:$0x1FFF0]  }
0x58: {  	v1 =	vld.idx.msk [tilespmem:v57+s20+$0x0], $0xffff  }
0x59: {  	v17 =	vlaneseq.u32;
	v2 =	vld.idx.msk [tilespmem:v57+s22+$0x0], $0xffff;
	v3 =	vadd.s32 $0xA, v0  }
0x5a: {  	v4 =	vadd.s32 $0xB, v0;
	v10 =	vsub.f32 $1.000000000e+00, v9;
	v5 =	vadd.s32 $0x8, v0  }
0x5b: {  	v6 =	vadd.s32 $0x9, v0;
	v7 =	vadd.s32 $0x5, v0;
	v8 =	vadd.s32 $0x6, v0  }
0x5c: {  	v11 =	vadd.s32 $0x7, v0;
	vm4 =	vgt.s32 v0, $0x0;
	v12 =	vadd.s32 $0x3, v0  }
0x5d: {  	v13 =	vadd.s32 $0x4, v0;
	v14 =	vadd.s32 $0x1, v0;
	v15 =	vadd.s32 $0x2, v0  }
0x5e: {  	v16 =	vadd.s32 v17, v1;
	v1 =	vadd.s32 v18, v1;
	v17 =	vadd.s32 v17, v2  }
0x5f: {  	v2 =	vadd.s32 v18, v2;
	vm5 =	vgt.s32 v6, $0x0;
	vm6 =	vgt.s32 v3, $0x0  }
0x60: {  	vm7 =	vgt.s32 v4, $0x0;
	vm8 =	vgt.s32 v8, $0x0;
	vm9 =	vgt.s32 v11, $0x0  }
0x61: {  	vm10 =	vgt.s32 v5, $0x0;
	vm11 =	vgt.s32 v12, $0x0;
	vm12 =	vgt.s32 v13, $0x0  }
0x62: {  	vm13 =	vgt.s32 v7, $0x0;
	v0 =	vnsel vm4, $0x0, v0;
	vm4 =	vgt.s32 v14, $0x0  }
0x63: {  	vm14 =	vgt.s32 v15, $0x0;
	vm15 =	vgt.s32 v16, $0x0;
	vm2 =	vgt.s32 v1, $0x0  }
0x64: {  	vm3 =	vgt.s32 v17, $0x0;
	v3 =	vnsel vm6, $0x0, v3;
	v4 =	vnsel vm7, $0x0, v4  }
0x65: {  	vm6 =	vgt.s32 v2, $0x0;
	v11 =	vnsel vm9, $0x0, v11;
	v5 =	vnsel vm10, $0x0, v5  }
0x66: {  	v6 =	vnsel vm5, $0x0, v6;
	v13 =	vnsel vm12, $0x0, v13;
	v7 =	vnsel vm13, $0x0, v7  }
0x67: {  	v8 =	vnsel vm8, $0x0, v8;
	v0 =	vmin.u32 v0, $0x3FF;
	v14 =	vnsel vm4, $0x0, v14  }
0x68: {  	v12 =	vnsel vm11, $0x0, v12;
	v15 =	vnsel vm14, $0x0, v15;
	v16 =	vnsel vm15, $0x0, v16  }
0x69: {  	v1 =	vnsel vm2, $0x0, v1;
	v17 =	vnsel vm3, $0x0, v17;
	v4 =	vmin.u32 v4, $0x3FF  }
0x6a: {  	v2 =	vnsel vm6, $0x0, v2;
	v5 =	vmin.u32 v5, $0x3FF;
	v6 =	vmin.u32 v6, $0x3FF  }
0x6b: {  	v3 =	vmin.u32 v3, $0x3FF;
	v7 =	vmin.u32 v7, $0x3FF;
	v8 =	vmin.u32 v8, $0x3FF  }
0x6c: {  	v11 =	vmin.u32 v11, $0x3FF;
	v18 =	vmin.u32 v12, $0x3FF;
	v13 =	vmin.u32 v13, $0x3FF  }
0x6d: {  	v12 =	vshll.u32 v0, $0x4;
	v0 =	vmin.u32 v14, $0x3FF;
	v14 =	vmin.u32 v15, $0x3FF  }
0x6e: {  	v15 =	vmin.u32 v16, $0x4FF;
	v1 =	vmin.u32 v1, $0x4FF;
	v16 =	vmin.u32 v17, $0x4FF  }
0x6f: {  	v2 =	vmin.u32 v2, $0x4FF;
	v6 =	vshll.u32 v6, $0x4;
	v3 =	vshll.u32 v3, $0x4  }
0x70: {  	v4 =	vshll.u32 v4, $0x4;
	v8 =	vshll.u32 v8, $0x4;
	v17 =	vshll.u32 v11, $0x4  }
0x71: {  	v5 =	vshll.u32 v5, $0x4;
	v18 =	vshll.u32 v18, $0x4;
	v13 =	vshll.u32 v13, $0x4  }
0x72: {  	v7 =	vshll.u32 v7, $0x4;
	v19 =	vand.u32 $0x7, v15;
	v46 =	vand.u32 $0x7, v1  }
0x73: {  	v35 =	vand.u32 $0x7, v16;
	v15 =	vand.u32 $0x7F8, v15;
	v1 =	vand.u32 $0x7F8, v1  }
0x74: {  	v37 =	vshll.u32 v0, $0x4;
	v0 =	vshll.u32 v14, $0x4;
	v33 =	vand.u32 $0x7F8, v16  }
0x75: {  	v11 =	vand.u32 $0x7, v2;
	v14 =	vadd.s32 v4, v15;
	v16 =	vadd.s32 v4, v1  }
0x76: {  	v44 =	vand.u32 $0x7F8, v2;
	v2 =	vadd.s32 v3, v15;
	v20 =	vadd.s32 v4, v33  }
0x77: {  	v21 =	vadd.s32 v3, v1;
	v22 =	vadd.s32 v3, v33;
	v23 =	vadd.s32 v6, v15  }
0x78: {  	v24 =	vadd.s32 v6, v1;
	v25 =	vadd.s32 v6, v33;
	v14 =	vor.u32 v19, v14  }
0x79: {  	v26 =	vadd.s32 v5, v15;
	v27 =	vadd.s32 v5, v1;
	v20 =	vor.u32 v35, v20  }
0x7a: {  	v28 =	vadd.s32 v5, v33;
	v29 =	vadd.s32 v17, v15;
	v2 =	vor.u32 v19, v2  }
0x7b: {  	v30 =	vadd.s32 v17, v1;
	v31 =	vadd.s32 v17, v33;
	v21 =	vor.u32 v46, v21  }
0x7c: {  	v32 =	vadd.s32 v8, v15;
	v3 =	vadd.s32 v3, v44;
	v24 =	vor.u32 v46, v24  }
0x7d: {  	v34 =	vadd.s32 v8, v1;
	v4 =	vadd.s32 v4, v44;
	v3 =	vor.u32 v11, v3;
	v14 =	vld.idx.msk [tilespmem:v14+s15+$0x0], $0xffff  }
0x7e: {  	v36 =	vadd.s32 v8, v33;
	v38 =	vadd.s32 v7, v15;
	v4 =	vor.u32 v11, v4;
	v20 =	vld.idx.msk [tilespmem:v20+s16+$0x0], $0xffff  }
0x7f: {  	v39 =	vadd.s32 v7, v1;
	v40 =	vadd.s32 v7, v33;
	v23 =	vor.u32 v19, v23;
	v2 =	vld.idx.msk [tilespmem:v2+s15+$0x0], $0xffff  }
0x80: {  	v41 =	vadd.s32 v13, v15;
	v42 =	vadd.s32 v13, v1;
	v16 =	vor.u32 v46, v16;
	v21 =	vld.idx.msk [tilespmem:v21+s15+$0x0], $0xffff  }
0x81: {  	v43 =	vadd.s32 v18, v15;
	v47 =	vadd.s32 v18, v1;
	v22 =	vor.u32 v35, v22;
	v24 =	vld.idx.msk [tilespmem:v24+s15+$0x0], $0xffff  }
0x82: {  	v51 =	vadd.s32 v18, v33;
	v5 =	vadd.s32 v5, v44;
	v25 =	vor.u32 v35, v25;
	v3 =	vld.idx.msk [tilespmem:v3+s16+$0x0], $0xffff  }
0x83: {  	v8 =	vadd.s32 v8, v44;
	v27 =	vor.u32 v46, v27;
	v28 =	vor.u32 v35, v28;
	v4 =	vld.idx.msk [tilespmem:v4+s16+$0x0], $0xffff  }
0x84: {  	v23 =	vld.idx.msk [tilespmem:v23+s15+$0x0], $0xffff;
	v61 =	vmul.f32 v2, v10;
	v62 =	vmul.f32 v14, v9;
	v14 =	vor.u32 v35, v31  }
0x85: {  	v29 =	vor.u32 v19, v29;
	v16 =	vld.idx.msk [tilespmem:v16+s15+$0x0], $0xffff;
	v63 =	vmul.f32 v21, v10;
	v53 =	vmul.f32 v20, v9  }
0x86: {  	v30 =	vor.u32 v46, v30;
	v22 =	vld.idx.msk [tilespmem:v22+s16+$0x0], $0xffff;
	v60 =	vmul.f32 v2, v9;
	v2 =	vmul.f32 v24, v10  }
0x87: {  	v5 =	vor.u32 v11, v5;
	v25 =	vld.idx.msk [tilespmem:v25+s16+$0x0], $0xffff;
	v21 =	vmul.f32 v21, v9;
	v55 =	vmul.f32 v3, v10  }
0x88: {  	v20 =	vor.u32 v19, v32;
	v58 =	vmul.f32 v4, v9;
	v4 =	vld.idx.msk [tilespmem:v27+s15+$0x0], $0xffff;
	v59 =	vmul.f32 v3, v9  }
0x89: {  	v3 =	vor.u32 v11, v8;
	[tilespmem:$0x1FDA0] =	vst v2;
	v8 =	vld.idx.msk [tilespmem:v14+s16+$0x0], $0xffff;
	v14 =	vmul.f32 v23, v9  }
0x8a: {  	v6 =	vadd.s32 v6, v44;
	v17 =	vadd.s32 v17, v44;
	v2 =	vld.idx.msk [tilespmem:v28+s16+$0x0], $0xffff;
	[tilespmem:$0x1FDB0] =	vst v21  }
0x8b: {  	v21 =	vor.u32 v35, v36;
	v28 =	vld.idx.msk [tilespmem:v29+s15+$0x0], $0xffff;
	[tilespmem:$0x1FDE0] =	vst v14;
	v14 =	vmul.f32 v24, v9  }
0x8c: {  	v7 =	vadd.s32 v7, v44;
	v30 =	vld.idx.msk [tilespmem:v30+s15+$0x0], $0xffff;
	v50 =	vmul.f32 v22, v10;
	v22 =	vmul.f32 v22, v9  }
0x8d: {  	[tilespmem:$0x1FDF0] =	vst v14;
	v14 =	vadd.s32 v18, v44;
	v18 =	vld.idx.msk [tilespmem:v20+s15+$0x0], $0xffff;
	v20 =	vmul.f32 v4, v10  }
0x8e: {  	v6 =	vor.u32 v11, v6;
	v5 =	vld.idx.msk [tilespmem:v5+s16+$0x0], $0xffff;
	[tilespmem:$0x1FDD0] =	vst v22;
	v4 =	vmul.f32 v4, v9  }
0x8f: {  	v52 =	vmul.f32 v16, v9;
	v16 =	vor.u32 v11, v17;
	[tilespmem:$0x1FE30] =	vst v20;
	v20 =	vmul.f32 v2, v10  }
0x90: {  	[tilespmem:$0x1FE40] =	vst v4;
	v4 =	vor.u32 v11, v7;
	v7 =	vld.idx.msk [tilespmem:v21+s16+$0x0], $0xffff;
	v21 =	vmul.f32 v28, v10  }
0x91: {  	v48 =	vadd.s32 v12, v15;
	v26 =	vor.u32 v19, v26;
	v2 =	vmul.f32 v2, v9;
	[tilespmem:$0x1FE50] =	vst v20  }
0x92: {  	v56 =	vmul.f32 v23, v10;
	v22 =	vor.u32 v19, v38;
	[tilespmem:$0x1FE90] =	vst v21;
	v21 =	vmul.f32 v28, v9  }
0x93: {  	v6 =	vld.idx.msk [tilespmem:v6+s16+$0x0], $0xffff;
	v23 =	vmul.f32 v25, v9;
	[tilespmem:$0x1FE60] =	vst v2;
	v20 =	vmul.f32 v5, v10  }
0x94: {  	v49 =	vadd.s32 v37, v15;
	v16 =	vld.idx.msk [tilespmem:v16+s16+$0x0], $0xffff;
	[tilespmem:$0x1FEA0] =	vst v21;
	v21 =	vmul.f32 v30, v10  }
0x95: {  	v2 =	vld.idx.msk [tilespmem:v3+s16+$0x0], $0xffff;
	v3 =	vor.u32 v46, v42;
	v42 =	vmov v23;
	v23 =	vmul.f32 v8, v10;
	[tilespmem:$0x1FE70] =	vst v20  }
0x96: {  	v15 =	vadd.s32 v0, v15;
	v17 =	vld.idx.msk [tilespmem:v26+s15+$0x0], $0xffff;
	[tilespmem:$0x1FEB0] =	vst v21;
	v21 =	vmul.f32 v30, v9  }
0x97: {  	v26 =	vor.u32 v46, v34;
	v20 =	vld.idx.msk [tilespmem:v22+s15+$0x0], $0xffff;
	v22 =	vadd.s32 v37, v1;
	[tilespmem:$0x1FED0] =	vst v23  }
0x98: {  	v23 =	vadd.s32 v0, v1;
	[tilespmem:$0x1FEC0] =	vst v21;
	v21 =	vadd.s32 v12, v1;
	v1 =	vmul.f32 v8, v9  }
0x99: {  	v15 =	vor.u32 v19, v15;
	v31 =	vor.u32 v19, v48;
	v27 =	vmul.f32 v25, v10  }
0x9a: {  	v29 =	vor.u32 v19, v43;
	v36 =	vor.u32 v19, v49;
	[tilespmem:$0x1FEE0] =	vst v1;
	v1 =	vmul.f32 v16, v10  }
0x9b: {  	[tilespmem:$0x1FDC0] =	vst v27;
	v27 =	vor.u32 v19, v41;
	v19 =	vmul.f32 v17, v10;
	v17 =	vmul.f32 v17, v9  }
0x9c: {  	[tilespmem:$0x1FEF0] =	vst v1;
	v1 =	vmul.f32 v16, v9  }
0x9d: {  	v41 =	vmul.f32 v6, v10;
	v6 =	vmul.f32 v6, v9;
	[tilespmem:$0x1FE20] =	vst v17;
	v17 =	vld.idx.msk [tilespmem:v26+s15+$0x0], $0xffff  }
0x9e: {  	[tilespmem:$0x1FF00] =	vst v1;
	v1 =	vmul.f32 v18, v10  }
0x9f: {  	[tilespmem:$0x1FE00] =	vst v6  }
0xa0: {  	v6 =	vor.u32 v46, v39;
	[tilespmem:$0x1FF10] =	vst v1;
	v1 =	vmul.f32 v18, v9  }
0xa1: {  	v45 =	vadd.s32 v13, v33;
	v13 =	vadd.s32 v13, v44;
	[tilespmem:$0x1FE10] =	vst v19;
	v19 =	vor.u32 v35, v40  }
0xa2: {  	v13 =	vor.u32 v11, v13;
	[tilespmem:$0x1FF20] =	vst v1;
	v1 =	vmul.f32 v17, v10;
	_ =	sdelay $0x1  }
0xa3: {  	v26 =	vld.idx.msk [tilespmem:v27+s15+$0x0], $0xffff;
	[tilespmem:$0x1FF30] =	vst v1;
	v1 =	vmul.f32 v17, v9  }
0xa4: {  	v6 =	vld.idx.msk [tilespmem:v6+s15+$0x0], $0xffff;
	v5 =	vmul.f32 v5, v9  }
0xa5: {  	v19 =	vld.idx.msk [tilespmem:v19+s16+$0x0], $0xffff;
	[tilespmem:$0x1FF40] =	vst v1;
	v1 =	vmul.f32 v7, v10  }
0xa6: {  	v28 =	vld.idx.msk [tilespmem:v13+s16+$0x0], $0xffff;
	[tilespmem:$0x1FE80] =	vst v5  }
0xa7: {  	v5 =	vor.u32 v35, v45;
	v30 =	vld.idx.msk [tilespmem:v29+s15+$0x0], $0xffff;
	[tilespmem:$0x1FF50] =	vst v1;
	v1 =	vmul.f32 v7, v9  }
0xa8: {  	v14 =	vor.u32 v11, v14;
	v13 =	vadd.s32 v0, v33;
	v24 =	vld.idx.msk [tilespmem:v4+s16+$0x0], $0xffff;
	v4 =	vor.u32 v46, v47  }
0xa9: {  	v0 =	vadd.s32 v0, v44;
	v8 =	vor.u32 v35, v51;
	[tilespmem:$0x1FF60] =	vst v1;
	v1 =	vmul.f32 v2, v10  }
0xaa: {  	v25 =	vld.idx.msk [tilespmem:v15+s15+$0x0], $0xffff;
	v43 =	vmul.f32 v6, v10;
	v54 =	vmul.f32 v6, v9;
	v48 =	vor.u32 v11, v0  }
0xab: {  	v6 =	vmul.f32 v19, v10;
	v3 =	vld.idx.msk [tilespmem:v3+s15+$0x0], $0xffff;
	[tilespmem:$0x1FF70] =	vst v1;
	v1 =	vmul.f32 v2, v9  }
0xac: {  	v27 =	vld.idx.msk [tilespmem:v5+s16+$0x0], $0xffff;
	v21 =	vor.u32 v46, v21;
	v5 =	vmul.f32 v28, v9;
	v47 =	vmul.f32 v30, v9  }
0xad: {  	v18 =	vor.u32 v46, v23;
	v23 =	vld.idx.msk [tilespmem:v4+s15+$0x0], $0xffff;
	[tilespmem:$0x1FF80] =	vst v1;
	v1 =	vmul.f32 v20, v10  }
0xae: {  	v16 =	vmul.f32 v26, v9;
	v38 =	vld.idx.msk [tilespmem:v8+s16+$0x0], $0xffff;
	v8 =	vmul.f32 v19, v9  }
0xaf: {  	v17 =	vld.idx.msk [tilespmem:v14+s16+$0x0], $0xffff;
	[tilespmem:$0x1FF90] =	vst v1;
	v1 =	vmul.f32 v20, v9;
	v20 =	vor.u32 v35, v13  }
0xb0: {  	[tilespmem:$0x1FFC0] =	vst v57;
	v29 =	vld.idx.msk [tilespmem:v31+s15+$0x0], $0xffff;
	v19 =	vmul.f32 v28, v10;
	v28 =	vmul.f32 v25, v10  }
0xb1: {  	v49 =	vadd.s32 v37, v44;
	v51 =	vld.idx.msk [tilespmem:v48+s16+$0x0], $0xffff;
	v15 =	vmul.f32 v27, v10;
	v14 =	vmul.f32 v24, v9  }
0xb2: {  	v32 =	vld.idx.msk [tilespmem:v21+s15+$0x0], $0xffff;
	v21 =	vmul.f32 v23, v10;
	v7 =	vmul.f32 v24, v10;
	v24 =	vor.u32 v46, v22  }
0xb3: {  	v34 =	vor.u32 v11, v49;
	v22 =	vld.idx.msk [tilespmem:v18+s15+$0x0], $0xffff;
	v18 =	vmul.f32 v3, v9;
	v46 =	vmul.f32 v27, v9  }
0xb4: {  	v27 =	vadd.s32 v37, v33;
	v0 =	vmul.f32 v17, v10;
	v13 =	vmul.f32 v3, v10;
	v3 =	vld.idx.msk [tilespmem:v20+s16+$0x0], $0xffff  }
0xb5: {  	v31 =	vld.idx.msk [tilespmem:v36+s15+$0x0], $0xffff;
	v37 =	vmul.f32 v23, v9;
	v23 =	vmul.f32 v38, v10;
	v36 =	vor.u32 v35, v27  }
0xb6: {  	[tilespmem:$0x1FFB0] =	vst v0;
	v0 =	vmul.f32 v51, v10;
	v2 =	vmul.f32 v26, v10;
	v26 =	vadd.s32 v12, v33  }
0xb7: {  	v12 =	vadd.s32 v12, v44;
	v39 =	vor.u32 v35, v26;
	v20 =	vmul.f32 v30, v10;
	v30 =	vld.idx.msk [tilespmem:v24+s15+$0x0], $0xffff  }
0xb8: {  	[tilespmem:$0x1FFD0] =	vst v0;
	v24 =	vmul.f32 v38, v9;
	v38 =	vor.u32 v11, v12;
	v12 =	vld.idx.msk [tilespmem:v57+s21+$0x0], $0xffff  }
0xb9: {  	s28 =	simm.s32 $0x1;
	v26 =	vmul.f32 v22, v10;
	[tilespmem:$0x1FFA0] =	vst v1;
	v11 =	vld.idx.msk [tilespmem:v57+s23+$0x0], $0xffff;
	v27 =	vmul.f32 v3, v10  }
.LBB2_2:
0xba: {  	v0 =	vmul.f32 v29, v10;
	_ =	sdelay $0x1  }
0xbb: {  	[tilespmem:$0x1FD00] =	vst v0;
	v0 =	vmul.f32 v17, v9;
	_ =	sdelay $0x1  }
0xbc: {  	[tilespmem:$0x1FD20] =	vst v0;
	v0 =	vmul.f32 v31, v9;
	_ =	sdelay $0x1  }
0xbd: {  	[tilespmem:$0x1FD10] =	vst v0;
	v0 =	vadd.f32 v58, v55  }
0xbe: {  	v1 =	vld [tilespmem:$0x1FDB0]  }
0xbf: {  	[tilespmem:$0x1FD30] =	vst v0;
	v0 =	vld [tilespmem:$0x1FDA0];
	_ =	sdelay $0x4  }
0xc0: {  	v44 =	vadd.f32 v1, v0;
	v0 =	vld [tilespmem:$0x1FDC0]  }
0xc1: {  	v1 =	vld [tilespmem:$0x1FDD0];
	_ =	sdelay $0x4  }
0xc2: {  	v49 =	vadd.f32 v53, v50;
	v53 =	vadd.f32 v1, v0;
	v0 =	vld [tilespmem:$0x1FDE0]  }
0xc3: {  	v1 =	vld [tilespmem:$0x1FE10];
	_ =	sdelay $0x4  }
0xc4: {  	v55 =	vadd.f32 v0, v1;
	v0 =	vld [tilespmem:$0x1FDF0]  }
0xc5: {  	v1 =	vld [tilespmem:$0x1FE30];
	_ =	sdelay $0x4  }
0xc6: {  	v50 =	vadd.f32 v60, v56;
	v56 =	vadd.f32 v0, v1;
	v0 =	vld [tilespmem:$0x1FE50];
	_ =	sdelay $0x2  }
0xc7: {  	v39 =	vld.idx.msk [tilespmem:v39+s16+$0x0], $0xffff  }
0xc8: {  	v1 =	vld [tilespmem:$0x1FE70]  }
0xc9: {  	v58 =	vadd.f32 v42, v0;
	v0 =	vld [tilespmem:$0x1FE00];
	_ =	sdelay $0x4  }
0xca: {  	v57 =	vmul.f32 v39, v10;
	v39 =	vadd.f32 v0, v1;
	v0 =	vld [tilespmem:$0x1FE20]  }
0xcb: {  	v1 =	vld [tilespmem:$0x1FE90];
	_ =	sdelay $0x3  }
0xcc: {  	v33 =	vld.idx.msk [tilespmem:v38+s16+$0x0], $0xffff  }
0xcd: {  	v38 =	vadd.f32 v59, v41;
	v59 =	vadd.f32 v0, v1;
	v0 =	vld [tilespmem:$0x1FE40]  }
0xce: {  	v1 =	vld [tilespmem:$0x1FEB0];
	_ =	sdelay $0x4  }
0xcf: {  	v60 =	vadd.f32 v0, v1;
	v0 =	vld [tilespmem:$0x1FE60]  }
0xd0: {  	v1 =	vld [tilespmem:$0x1FED0];
	_ =	sdelay $0x4  }
0xd1: {  	v48 =	vadd.f32 v52, v63;
	v63 =	vadd.f32 v0, v1;
	v0 =	vld [tilespmem:$0x1FE80]  }
0xd2: {  	v1 =	vld [tilespmem:$0x1FEF0];
	_ =	sdelay $0x3  }
0xd3: {  	v52 =	vld.idx.msk [tilespmem:v34+s16+$0x0], $0xffff  }
0xd4: {  	v34 =	vadd.f32 v0, v1;
	v0 =	vld [tilespmem:$0x1FEA0]  }
0xd5: {  	v1 =	vld [tilespmem:$0x1FF10];
	_ =	sdelay $0x3  }
0xd6: {  	v4 =	vld [tilespmem:$0x1FF30]  }
0xd7: {  	v1 =	vadd.f32 v0, v1;
	v0 =	vld [tilespmem:$0x1FEC0];
	_ =	sdelay $0x4  }
0xd8: {  	v41 =	vadd.f32 v0, v4;
	v0 =	vld [tilespmem:$0x1FEE0]  }
0xd9: {  	v4 =	vld [tilespmem:$0x1FF50];
	_ =	sdelay $0x3  }
0xda: {  	v42 =	vld [tilespmem:$0x1FF70]  }
0xdb: {  	v4 =	vadd.f32 v0, v4;
	v0 =	vld [tilespmem:$0x1FF00];
	_ =	sdelay $0x4  }
0xdc: {  	v45 =	vadd.f32 v62, v61;
	v62 =	vmul.f32 v33, v10;
	v33 =	vadd.f32 v0, v42;
	v0 =	vld [tilespmem:$0x1FF20]  }
0xdd: {  	v42 =	vld [tilespmem:$0x1FF90];
	_ =	sdelay $0x4  }
0xde: {  	v42 =	vadd.f32 v0, v42;
	v0 =	vld [tilespmem:$0x1FF40];
	_ =	sdelay $0x4  }
0xdf: {  	v43 =	vadd.f32 v0, v43;
	v0 =	vld [tilespmem:$0x1FF60];
	_ =	sdelay $0x3  }
0xe0: {  	v36 =	vld.idx.msk [tilespmem:v36+s16+$0x0], $0xffff  }
0xe1: {  	v6 =	vadd.f32 v0, v6;
	v0 =	vld [tilespmem:$0x1FF80]  }
0xe2: {  	v40 =	vsub.f32 $1.000000000e+00, v12;
	v29 =	vsub.f32 $1.000000000e+00, v11;
	v25 =	vmul.f32 v25, v9  }
0xe3: {  	v13 =	vadd.f32 v54, v13;
	v32 =	vmul.f32 v32, v10;
	v17 =	vmul.f32 v30, v9  }
0xe4: {  	v8 =	vadd.f32 v8, v15;
	v31 =	vmul.f32 v31, v10;
	v30 =	vmul.f32 v30, v10  }
0xe5: {  	v14 =	vadd.f32 v14, v19;
	v61 =	vmul.f32 v36, v9;
	v35 =	vmul.f32 v52, v9  }
0xe6: {  	v36 =	vmul.f32 v36, v10;
	v10 =	vmul.f32 v52, v10;
	v52 =	vadd.f32 v0, v7;
	v0 =	vld [tilespmem:$0x1FFA0]  }
0xe7: {  	v22 =	vmul.f32 v22, v9;
	v15 =	vadd.f32 v16, v20;
	v16 =	vadd.f32 v18, v21  }
0xe8: {  	v3 =	vmul.f32 v3, v9;
	v21 =	vadd.f32 v46, v23;
	v28 =	vadd.f32 v47, v28  }
0xe9: {  	v26 =	vadd.f32 v37, v26;
	v13 =	vmul.f32 v13, v12;
	v15 =	vmul.f32 v15, v40  }
0xea: {  	v24 =	vadd.f32 v24, v27;
	v28 =	vmul.f32 v28, v40;
	v16 =	vmul.f32 v16, v12;
	v54 =	vld [tilespmem:$0x1FD10]  }
0xeb: {  	v26 =	vmul.f32 v26, v12;
	v9 =	vmul.f32 v51, v9;
	v7 =	vadd.f32 v0, v2;
	v0 =	vld [tilespmem:$0x1FD00]  }
0xec: {  	v24 =	vmul.f32 v24, v29;
	v22 =	vadd.f32 v22, v30;
	v30 =	vadd.f32 v61, v57  }
0xed: {  	v8 =	vmul.f32 v8, v29;
	v3 =	vadd.f32 v3, v36;
	v9 =	vadd.f32 v9, v10  }
0xee: {  	v14 =	vmul.f32 v14, v11;
	v17 =	vadd.f32 v17, v32;
	v10 =	vmul.f32 v30, v29  }
0xef: {  	v25 =	vadd.f32 v25, v31;
	v30 =	vld [tilespmem:$0x1FD20];
	v3 =	vmul.f32 v3, v29;
	v9 =	vmul.f32 v9, v11  }
0xf0: {  	v51 =	vmul.f32 v45, v40;
	v17 =	vmul.f32 v17, v12;
	v47 =	vadd.f32 v54, v0;
	v0 =	vld [tilespmem:$0x1FFD0]  }
0xf1: {  	v25 =	vmul.f32 v25, v40;
	v3 =	vadd.f32 v9, v3;
	v9 =	vmul.f32 v21, v29  }
0xf2: {  	v19 =	vmul.f32 v44, v12;
	v23 =	vmul.f32 v53, v29  }
0xf3: {  	v20 =	vmul.f32 v55, v40;
	v44 =	vmul.f32 v56, v12  }
0xf4: {  	v31 =	vadd.f32 v35, v62;
	v37 =	vmul.f32 v59, v40;
	v53 =	vmul.f32 v60, v12  }
0xf5: {  	v1 =	vmul.f32 v1, v40;
	v41 =	vmul.f32 v41, v12;
	v30 =	vadd.f32 v30, v0;
	v0 =	vld [tilespmem:$0x1FFB0]  }
0xf6: {  	v8 =	vadd.f32 v14, v8;
	v56 =	vmul.f32 v43, v12;
	v2 =	vmul.f32 v48, v12  }
0xf7: {  	v21 =	vadd.f32 v26, v28;
	v12 =	vmul.f32 v22, v12;
	v22 =	vmul.f32 v31, v11  }
0xf8: {  	v1 =	vadd.f32 v41, v1;
	v4 =	vmul.f32 v4, v29;
	v59 =	vmul.f32 v47, v40  }
0xf9: {  	v14 =	vmul.f32 v33, v11;
	v12 =	vadd.f32 v12, v25;
	v10 =	vadd.f32 v22, v10  }
0xfa: {  	v17 =	vadd.f32 v17, v59;
	v25 =	vmul.f32 v30, v11;
	v31 =	vadd.f32 v5, v0  }
0xfb: {  	v4 =	vadd.f32 v14, v4;
	v6 =	vmul.f32 v6, v29;
	v3 =	vsub.f32 v12, v3  }
0xfc: {  	v10 =	vsub.f32 v17, v10;
	v22 =	vadd.f32 v25, v24;
	v24 =	vmul.f32 v31, v11  }
0xfd: {  	v7 =	vmul.f32 v7, v40;
	v12 =	vadd.f32 v16, v15;
	v3 =	vand.u32 $0x7FFFFFFF, v3  }
0xfe: {  	v10 =	vand.u32 $0x7FFFFFFF, v10;
	v15 =	vsub.f32 v21, v22;
	v9 =	vadd.f32 v24, v9  }
0xff: {  	v7 =	vadd.f32 v13, v7;
	v13 =	vmul.f32 v52, v11;
	v3 =	vadd.f32 v3, v10  }
0x100: {  	v55 =	vmul.f32 v42, v40;
	v10 =	vand.u32 $0x7FFFFFFF, v15;
	v9 =	vsub.f32 v12, v9  }
0x101: {  	v45 =	vmul.f32 v58, v29;
	v6 =	vadd.f32 v13, v6;
	v3 =	vadd.f32 v10, v3  }
0x102: {  	v7 =	vsub.f32 v7, v8;
	v12 =	vadd.f32 v56, v55;
	v9 =	vand.u32 $0x7FFFFFFF, v9  }
0x103: {  	v27 =	vmul.f32 v63, v29;
	v1 =	vsub.f32 v1, v4;
	v3 =	vadd.f32 v9, v3  }
0x104: {  	v8 =	vmul.f32 v34, v11;
	v7 =	vand.u32 $0x7FFFFFFF, v7;
	v6 =	vsub.f32 v12, v6  }
0x105: {  	v4 =	vadd.f32 v44, v20;
	v10 =	vmul.f32 v39, v11;
	v3 =	vadd.f32 v7, v3  }
0x106: {  	v0 =	vld [tilespmem:$0x1FD30];
	v9 =	vadd.f32 v53, v37;
	v6 =	vand.u32 $0x7FFFFFFF, v6;
	v7 =	vadd.f32 v8, v27  }
0x107: {  	v18 =	vmul.f32 v50, v40;
	v3 =	vadd.f32 v6, v3;
	v6 =	vadd.f32 v10, v45  }
0x108: {  	v1 =	vand.u32 $0x7FFFFFFF, v1;
	v8 =	vmul.f32 v38, v11;
	v7 =	vsub.f32 v9, v7  }
0x109: {  	v1 =	vadd.f32 v1, v3;
	v4 =	vsub.f32 v4, v6;
	v6 =	vmov s28  }
0x10a: {  	v9 =	vadd.f32 v19, v18;
	v3 =	vadd.f32 v8, v23;
	v7 =	vand.u32 $0x7FFFFFFF, v7  }
0x10b: {  	v48 =	vmul.f32 v49, v29;
	v10 =	vmul.f32 v0, v11;
	v1 =	vadd.f32 v7, v1  }
0x10c: {  	v0 =	vadd.f32 v2, v51;
	v4 =	vand.u32 $0x7FFFFFFF, v4;
	v3 =	vsub.f32 v9, v3  }
0x10d: {  	v2 =	vadd.f32 v10, v48;
	v1 =	vadd.f32 v4, v1  }
0x10e: {  	v3 =	vand.u32 $0x7FFFFFFF, v3;
	v9 =	vld.idx.msk [tilespmem:v6+s18+$0x0], $0xffff  }
0x10f: {  	v0 =	vsub.f32 v0, v2;
	v1 =	vadd.f32 v3, v1;
	v3 =	vld.idx.msk [tilespmem:v6+s19+$0x0], $0xffff;
	_ =	sdelay $0x1  }
0x110: {  	v0 =	vand.u32 $0x7FFFFFFF, v0  }
0x111: {  	v0 =	vadd.f32 v0, v1  }
0x112: {  	v58 =	vlaneseq.u32  }
0x113: {  	v2 =	vld [tilespmem:$0x1FFC0];
	v0 =	vnsel vm1, $0x0, v0;
	v10 =	vsub.f32 $1.000000000e+00, v9;
	v4 =	vadd.s32 $0xA, v3  }
0x114: {  	v1 =	vld.idx.msk [tilespmem:v6+s20+$0x0], $0xffff;
	v5 =	vadd.s32 $0xB, v3;
	v7 =	vadd.s32 $0x5, v3;
	v8 =	vadd.s32 $0x6, v3  }
0x115: {  	v49 =	vld [tilespmem:$0x1FFF0];
	v11 =	vadd.s32 $0x7, v3;
	vm2 =	vgt.s32 v3, $0x0;
	v12 =	vadd.s32 $0x3, v3  }
0x116: {  	v13 =	vadd.s32 $0x4, v3;
	v14 =	vadd.s32 $0x1, v3;
	v15 =	vadd.s32 $0x2, v3  }
0x117: {  	vm4 =	vgt.s32 v4, $0x0;
	vm5 =	vgt.s32 v5, $0x0;
	vm6 =	vgt.s32 v8, $0x0  }
0x118: {  	vm7 =	vgt.s32 v11, $0x0;
	vm9 =	vgt.s32 v12, $0x0;
	vm10 =	vgt.s32 v13, $0x0  }
0x119: {  	vm11 =	vgt.s32 v7, $0x0;
	vm12 =	vgt.s32 v15, $0x0;
	v16 =	vadd.s32 v58, v1  }
0x11a: {  	v1 =	vadd.s32 v49, v1;
	v4 =	vnsel vm4, $0x0, v4;
	v5 =	vnsel vm5, $0x0, v5  }
0x11b: {  	v2 =	vld.idx.msk [tilespmem:v2+s24+$0x0], $0xffff;
	v11 =	vnsel vm7, $0x0, v11;
	v13 =	vnsel vm10, $0x0, v13;
	v7 =	vnsel vm11, $0x0, v7  }
0x11c: {  	v8 =	vnsel vm6, $0x0, v8;
	v12 =	vnsel vm9, $0x0, v12;
	v15 =	vnsel vm12, $0x0, v15  }
0x11d: {  	vm13 =	vgt.s32 v16, $0x0;
	vm14 =	vgt.s32 v1, $0x0;
	v5 =	vmin.u32 v5, $0x3FF  }
0x11e: {  	v4 =	vmin.u32 v4, $0x3FF;
	v7 =	vmin.u32 v7, $0x3FF;
	v8 =	vmin.u32 v8, $0x3FF  }
0x11f: {  	v50 =	vld [tilespmem:$0x1FD80];
	v11 =	vmin.u32 v11, $0x3FF;
	v12 =	vmin.u32 v12, $0x3FF;
	v13 =	vmin.u32 v13, $0x3FF  }
0x120: {  	v60 =	vmovc v6;
	v0 =	vmul.f32 v0, v2;
	v2 =	vld.idx.msk [tilespmem:v6+s22+$0x0], $0xffff;
	v6 =	vadd.s32 $0x9, v3;
	v16 =	vnsel vm13, $0x0, v16  }
0x121: {  	v1 =	vnsel vm14, $0x0, v1;
	v4 =	vshll.u32 v4, $0x4;
	v5 =	vshll.u32 v5, $0x4  }
0x122: {  	v8 =	vshll.u32 v8, $0x4;
	v18 =	vshll.u32 v12, $0x4;
	v13 =	vshll.u32 v13, $0x4  }
0x123: {  	v7 =	vshll.u32 v7, $0x4;
	vm3 =	vgt.s32 v6, $0x0;
	v1 =	vmin.u32 v1, $0x4FF  }
0x124: {  	v50 =	vadd.f32 v0, v50;
	v0 =	vadd.s32 $0x8, v3;
	v3 =	vnsel vm2, $0x0, v3  }
0x125: {  	vm2 =	vgt.s32 v14, $0x0;
	v6 =	vnsel vm3, $0x0, v6;
	v51 =	vand.u32 $0x7, v1  }
0x126: {  	v1 =	vand.u32 $0x7F8, v1;
	vm8 =	vgt.s32 v0, $0x0;
	v3 =	vmin.u32 v3, $0x3FF  }
0x127: {  	v14 =	vnsel vm2, $0x0, v14;
	v6 =	vmin.u32 v6, $0x3FF;
	v32 =	vadd.s32 v8, v1  }
0x128: {  	v43 =	vadd.s32 v13, v1;
	v0 =	vnsel vm8, $0x0, v0;
	v33 =	vshll.u32 v3, $0x4  }
0x129: {  	v3 =	vmin.u32 v14, $0x3FF;
	v14 =	vmin.u32 v15, $0x3FF;
	v15 =	vmin.u32 v16, $0x4FF  }
0x12a: {  	v6 =	vshll.u32 v6, $0x4;
	v17 =	vadd.s32 v58, v2;
	v2 =	vadd.s32 v49, v2  }
0x12b: {  	v0 =	vmin.u32 v0, $0x3FF;
	v54 =	vand.u32 $0x7, v15;
	v15 =	vand.u32 $0x7F8, v15  }
0x12c: {  	v44 =	vshll.u32 v3, $0x4;
	v14 =	vshll.u32 v14, $0x4;
	v21 =	vadd.s32 v6, v1  }
0x12d: {  	v49 =	vadd.s32 v18, v1;
	vm15 =	vgt.s32 v17, $0x0;
	vm4 =	vgt.s32 v2, $0x0  }
0x12e: {  	v0 =	vshll.u32 v0, $0x4;
	v3 =	vadd.s32 v5, v15;
	v20 =	vadd.s32 v6, v15  }
0x12f: {  	v31 =	vadd.s32 v8, v15;
	v38 =	vadd.s32 v7, v15;
	v41 =	vadd.s32 v13, v15  }
0x130: {  	v21 =	vor.u32 v51, v21;
	v48 =	vadd.s32 v18, v15;
	v58 =	vadd.s32 v33, v15  }
0x131: {  	v17 =	vnsel vm15, $0x0, v17;
	v2 =	vnsel vm4, $0x0, v2;
	v23 =	vadd.s32 v0, v15  }
0x132: {  	v3 =	vor.u32 v54, v3;
	v24 =	vadd.s32 v0, v1;
	v20 =	vor.u32 v54, v20  }
0x133: {  	v16 =	vmin.u32 v17, $0x4FF;
	v2 =	vmin.u32 v2, $0x4FF;
	v17 =	vshll.u32 v11, $0x4  }
0x134: {  	v11 =	vadd.s32 v5, v1;
	v23 =	vor.u32 v54, v23;
	v24 =	vor.u32 v51, v24  }
0x135: {  	[tilespmem:$0x1FFC0] =	vst v60;
	v37 =	vand.u32 $0x7, v16;
	v35 =	vand.u32 $0x7, v2;
	v46 =	vand.u32 $0x7F8, v16  }
0x136: {  	[tilespmem:$0x1FD80] =	vst v50;
	v47 =	vand.u32 $0x7F8, v2;
	v25 =	vor.u32 v51, v11;
	v11 =	vld.idx.msk [tilespmem:v60+s23+$0x0], $0xffff;
	v12 =	vadd.s32 v5, v46  }
0x137: {  	v2 =	vadd.s32 v4, v15;
	v16 =	vadd.s32 v4, v1;
	v28 =	vor.u32 v37, v12;
	v12 =	vld.idx.msk [tilespmem:v60+s21+$0x0], $0xffff  }
0x138: {  	v27 =	vadd.s32 v17, v15;
	v29 =	vadd.s32 v17, v1;
	v5 =	vadd.s32 v5, v47;
	v21 =	vld.idx.msk [tilespmem:v21+s15+$0x0], $0xffff  }
0x139: {  	v19 =	vadd.s32 v4, v46;
	v4 =	vadd.s32 v4, v47;
	v2 =	vor.u32 v54, v2;
	v34 =	vld.idx.msk [tilespmem:v3+s15+$0x0], $0xffff  }
0x13a: {  	v22 =	vadd.s32 v6, v46;
	v6 =	vadd.s32 v6, v47;
	v16 =	vor.u32 v51, v16;
	v20 =	vld.idx.msk [tilespmem:v20+s15+$0x0], $0xffff  }
0x13b: {  	v26 =	vadd.s32 v0, v46;
	v0 =	vadd.s32 v0, v47;
	v30 =	vadd.s32 v17, v46;
	v23 =	vld.idx.msk [tilespmem:v23+s15+$0x0], $0xffff  }
0x13c: {  	v17 =	vadd.s32 v17, v47;
	v36 =	vadd.s32 v8, v46;
	v5 =	vor.u32 v35, v5;
	v24 =	vld.idx.msk [tilespmem:v24+s15+$0x0], $0xffff  }
0x13d: {  	v39 =	vadd.s32 v8, v47;
	v40 =	vadd.s32 v7, v46;
	v4 =	vor.u32 v35, v4;
	v25 =	vld.idx.msk [tilespmem:v25+s15+$0x0], $0xffff  }
0x13e: {  	v42 =	vadd.s32 v7, v47;
	v45 =	vadd.s32 v13, v46;
	v22 =	vor.u32 v37, v22;
	v2 =	vld.idx.msk [tilespmem:v2+s15+$0x0], $0xffff  }
0x13f: {  	v13 =	vadd.s32 v13, v47;
	v50 =	vadd.s32 v18, v46;
	v6 =	vor.u32 v35, v6;
	v16 =	vld.idx.msk [tilespmem:v16+s15+$0x0], $0xffff  }
0x140: {  	v18 =	vadd.s32 v18, v47;
	v8 =	vadd.s32 v44, v15;
	v26 =	vor.u32 v37, v26;
	v28 =	vld.idx.msk [tilespmem:v28+s16+$0x0], $0xffff  }
0x141: {  	v15 =	vadd.s32 v14, v15;
	v57 =	vadd.s32 v14, v46;
	v3 =	vor.u32 v37, v19;
	v5 =	vld.idx.msk [tilespmem:v5+s16+$0x0], $0xffff  }
0x142: {  	v27 =	vor.u32 v54, v27;
	v29 =	vor.u32 v51, v29;
	v60 =	vadd.s32 v33, v1;
	v4 =	vld.idx.msk [tilespmem:v4+s16+$0x0], $0xffff  }
0x143: {  	v0 =	vor.u32 v35, v0;
	v22 =	vld.idx.msk [tilespmem:v22+s16+$0x0], $0xffff;
	v56 =	vmul.f32 v20, v10;
	v20 =	vmul.f32 v20, v9  }
0x144: {  	v17 =	vor.u32 v35, v17;
	v19 =	vadd.s32 v7, v1;
	v6 =	vld.idx.msk [tilespmem:v6+s16+$0x0], $0xffff;
	v61 =	vmul.f32 v25, v9  }
0x145: {  	v26 =	vld.idx.msk [tilespmem:v26+s16+$0x0], $0xffff;
	[tilespmem:$0x1FDE0] =	vst v20;
	v20 =	vmul.f32 v24, v10;
	v7 =	vmul.f32 v2, v10  }
0x146: {  	v13 =	vor.u32 v35, v13;
	v52 =	vld.idx.msk [tilespmem:v3+s16+$0x0], $0xffff;
	v63 =	vmul.f32 v16, v10;
	v16 =	vmul.f32 v16, v9  }
0x147: {  	v53 =	vmul.f32 v28, v9;
	v28 =	vor.u32 v54, v31;
	v31 =	vmul.f32 v5, v9;
	[tilespmem:$0x1FE30] =	vst v20  }
0x148: {  	v5 =	vor.u32 v51, v32;
	v32 =	vmul.f32 v2, v9;
	v2 =	vmul.f32 v21, v10;
	[tilespmem:$0x1FD40] =	vst v7  }
0x149: {  	v0 =	vld.idx.msk [tilespmem:v0+s16+$0x0], $0xffff;
	v55 =	vmul.f32 v4, v10;
	v20 =	vmul.f32 v21, v9;
	[tilespmem:$0x1FDB0] =	vst v16  }
0x14a: {  	v25 =	vor.u32 v37, v30;
	v59 =	vmul.f32 v4, v9;
	v21 =	vmul.f32 v26, v10;
	[tilespmem:$0x1FDA0] =	vst v2  }
0x14b: {  	v4 =	vor.u32 v51, v19;
	v7 =	vmul.f32 v52, v10;
	v30 =	vmul.f32 v52, v9;
	[tilespmem:$0x1FDF0] =	vst v20  }
0x14c: {  	v27 =	vld.idx.msk [tilespmem:v27+s15+$0x0], $0xffff;
	v52 =	vmov v61;
	v61 =	vmul.f32 v6, v10;
	v6 =	vmul.f32 v6, v9;
	[tilespmem:$0x1FE50] =	vst v21  }
0x14d: {  	v16 =	vor.u32 v37, v36;
	v2 =	vld.idx.msk [tilespmem:v29+s15+$0x0], $0xffff;
	v29 =	vmul.f32 v22, v10;
	[tilespmem:$0x1FDD0] =	vst v30  }
0x14e: {  	v21 =	vor.u32 v35, v42;
	v42 =	vmul.f32 v22, v9;
	v22 =	vmul.f32 v0, v10;
	[tilespmem:$0x1FE00] =	vst v6  }
0x14f: {  	v0 =	vmul.f32 v0, v9;
	v25 =	vld.idx.msk [tilespmem:v25+s16+$0x0], $0xffff;
	[tilespmem:$0x1FDC0] =	vst v29;
	v29 =	vor.u32 v35, v39  }
0x150: {  	v39 =	vmul.f32 v23, v10;
	[tilespmem:$0x1FE70] =	vst v22;
	v23 =	vmul.f32 v23, v9;
	v19 =	vld.idx.msk [tilespmem:v28+s15+$0x0], $0xffff  }
0x151: {  	[tilespmem:$0x1FE80] =	vst v0;
	v0 =	vor.u32 v51, v49;
	v5 =	vld.idx.msk [tilespmem:v5+s15+$0x0], $0xffff;
	v28 =	vmul.f32 v27, v10  }
0x152: {  	v18 =	vor.u32 v35, v18;
	v15 =	vor.u32 v54, v15;
	[tilespmem:$0x1FE20] =	vst v23;
	v23 =	vmul.f32 v2, v10  }
0x153: {  	v17 =	vld.idx.msk [tilespmem:v17+s16+$0x0], $0xffff;
	v3 =	vadd.s32 v44, v1;
	[tilespmem:$0x1FE90] =	vst v28;
	v2 =	vmul.f32 v2, v9  }
0x154: {  	v20 =	vor.u32 v37, v40;
	v16 =	vld.idx.msk [tilespmem:v16+s16+$0x0], $0xffff;
	[tilespmem:$0x1FEB0] =	vst v23;
	v23 =	vmul.f32 v24, v9  }
0x155: {  	v36 =	vld.idx.msk [tilespmem:v13+s16+$0x0], $0xffff;
	v30 =	vor.u32 v54, v38;
	v24 =	vmul.f32 v25, v10;
	[tilespmem:$0x1FEC0] =	vst v2  }
0x156: {  	v22 =	vor.u32 v54, v41;
	v38 =	vld.idx.msk [tilespmem:v0+s15+$0x0], $0xffff;
	v0 =	vmul.f32 v5, v9;
	[tilespmem:$0x1FE40] =	vst v23  }
0x157: {  	v6 =	vor.u32 v51, v43;
	v4 =	vld.idx.msk [tilespmem:v4+s15+$0x0], $0xffff;
	[tilespmem:$0x1FED0] =	vst v24;
	v24 =	vmul.f32 v26, v9  }
0x158: {  	v1 =	vadd.s32 v14, v1;
	v28 =	vld.idx.msk [tilespmem:v29+s16+$0x0], $0xffff;
	v26 =	vmul.f32 v19, v10;
	[tilespmem:$0x1FF40] =	vst v0  }
0x159: {  	v14 =	vadd.s32 v14, v47;
	v20 =	vld.idx.msk [tilespmem:v20+s16+$0x0], $0xffff;
	v0 =	vmul.f32 v16, v9;
	[tilespmem:$0x1FE60] =	vst v24  }
0x15a: {  	v21 =	vld.idx.msk [tilespmem:v21+s16+$0x0], $0xffff;
	v2 =	vor.u32 v37, v50;
	v24 =	vmul.f32 v17, v10;
	[tilespmem:$0x1FF10] =	vst v26  }
0x15b: {  	v23 =	vor.u32 v37, v45;
	v26 =	vld.idx.msk [tilespmem:v22+s15+$0x0], $0xffff;
	v22 =	vmul.f32 v27, v9;
	[tilespmem:$0x1FF60] =	vst v0  }
0x15c: {  	v62 =	vmul.f32 v34, v9;
	v27 =	vld.idx.msk [tilespmem:v6+s15+$0x0], $0xffff;
	v6 =	vmul.f32 v16, v10;
	[tilespmem:$0x1FEF0] =	vst v24  }
0x15d: {  	v1 =	vor.u32 v51, v1;
	v30 =	vld.idx.msk [tilespmem:v30+s15+$0x0], $0xffff;
	v0 =	vmul.f32 v28, v9;
	[tilespmem:$0x1FEA0] =	vst v22  }
0x15e: {  	v43 =	vmul.f32 v4, v10;
	v24 =	vor.u32 v54, v48;
	[tilespmem:$0x1FF50] =	vst v6;
	v6 =	vmul.f32 v25, v9  }
0x15f: {  	v50 =	vmov v7;
	v7 =	vmul.f32 v21, v10;
	v40 =	vld.idx.msk [tilespmem:v2+s16+$0x0], $0xffff;
	v22 =	vmul.f32 v5, v10;
	[tilespmem:$0x1FF80] =	vst v0  }
0x160: {  	v45 =	vld.idx.msk [tilespmem:v23+s16+$0x0], $0xffff;
	v23 =	vor.u32 v37, v57;
	[tilespmem:$0x1FEE0] =	vst v6;
	v6 =	vmul.f32 v28, v10  }
0x161: {  	v25 =	vld.idx.msk [tilespmem:v15+s15+$0x0], $0xffff;
	v5 =	vmul.f32 v36, v9;
	[tilespmem:$0x1FF30] =	vst v22;
	v22 =	vor.u32 v54, v58  }
0x162: {  	v0 =	vmul.f32 v30, v9;
	v57 =	vadd.s32 v44, v47;
	[tilespmem:$0x1FF70] =	vst v6;
	v6 =	vmul.f32 v30, v10  }
0x163: {  	[tilespmem:$0x1FE10] =	vst v39;
	v58 =	vmov v31;
	v31 =	vor.u32 v35, v14;
	v28 =	vor.u32 v54, v8;
	v24 =	vld.idx.msk [tilespmem:v24+s15+$0x0], $0xffff  }
0x164: {  	v54 =	vmul.f32 v4, v9;
	[tilespmem:$0x1FF90] =	vst v6;
	v6 =	vmul.f32 v17, v9;
	v17 =	vld.idx.msk [tilespmem:v18+s16+$0x0], $0xffff  }
0x165: {  	v4 =	vor.u32 v51, v3;
	v8 =	vmul.f32 v20, v9;
	v14 =	vmul.f32 v21, v9;
	v3 =	vld.idx.msk [tilespmem:v23+s16+$0x0], $0xffff  }
0x166: {  	v21 =	vmul.f32 v38, v10;
	v34 =	vor.u32 v35, v57;
	v2 =	vmul.f32 v26, v10;
	v29 =	vld.idx.msk [tilespmem:v22+s15+$0x0], $0xffff  }
0x167: {  	v13 =	vmul.f32 v27, v10;
	v16 =	vmul.f32 v26, v9;
	v18 =	vor.u32 v51, v60;
	v22 =	vld.idx.msk [tilespmem:v1+s15+$0x0], $0xffff  }
0x168: {  	v15 =	vmul.f32 v45, v10;
	v51 =	vld.idx.msk [tilespmem:v31+s16+$0x0], $0xffff;
	[tilespmem:$0x1FF00] =	vst v6;
	v6 =	vmul.f32 v19, v9  }
0x169: {  	v41 =	vmov v61;
	[tilespmem:$0x1FFA0] =	vst v0;
	v23 =	vmul.f32 v40, v10;
	v31 =	vld.idx.msk [tilespmem:v28+s15+$0x0], $0xffff;
	v28 =	vmul.f32 v25, v10  }
0x16a: {  	p0 =	sne.s32 s28, $0x3F;
	v1 =	vadd.s32 v33, v46;
	v19 =	vmul.f32 v36, v10;
	[tilespmem:$0x1FF20] =	vst v6;
	v6 =	vmul.f32 v20, v10  }
.Ltmp0:
0x16b: {  	v60 =	vmovc v32;
	v33 =	vadd.s32 v33, v47;
	v20 =	vmul.f32 v24, v10;
	v0 =	vmul.f32 v17, v10;
	(pc) =	sbr.rel @p0 .LBB2_2-.Ltmp0, $4  }
0x16c: {  	v39 =	vor.u32 v37, v1;
	v47 =	vmul.f32 v24, v9;
	v24 =	vmul.f32 v40, v9;
	v32 =	vld.idx.msk [tilespmem:v18+s15+$0x0], $0xffff  }
0x16d: {  	v18 =	vmul.f32 v27, v9;
	v27 =	vadd.s32 v44, v46;
	[tilespmem:$0x1FFB0] =	vst v0;
	v0 =	vmul.f32 v51, v10  }
0x16e: {  	v30 =	vld.idx.msk [tilespmem:v4+s15+$0x0], $0xffff;
	v46 =	vmul.f32 v45, v9;
	v26 =	vmul.f32 v22, v10;
	v36 =	vor.u32 v37, v27  }
0x16f: {  	s28 =	sadd.s32 $0x1, s28;
	v61 =	vld [tilespmem:$0x1FD40];
	v37 =	vmul.f32 v38, v9;
	v38 =	vor.u32 v35, v33;
	v27 =	vmul.f32 v3, v10;
	[tilespmem:$0x1FFD0] =	vst v0  }
0x170: {  	v0 =	vld [tilespmem:$0x1FDA0]  }
0x171: {  	v58 =	vadd.f32 v58, v55;
	v55 =	vld [tilespmem:$0x1FDE0]  }
0x172: {  	v4 =	vadd.f32 v60, v56;
	v56 =	vld [tilespmem:$0x1FE10]  }
0x173: {  	v40 =	vld [tilespmem:$0x1FE30]  }
0x174: {  	v59 =	vadd.f32 v59, v41;
	v41 =	vld [tilespmem:$0x1FE50]  }
0x175: {  	v44 =	vld [tilespmem:$0x1FE70]  }
0x176: {  	v45 =	vld [tilespmem:$0x1FE20]  }
0x177: {  	v48 =	vld [tilespmem:$0x1FE90]  }
0x178: {  	v1 =	vadd.f32 v62, v61;
	v61 =	vadd.f32 v53, v50;
	v50 =	vld [tilespmem:$0x1FDB0]  }
0x179: {  	v62 =	vadd.f32 v52, v63;
	v52 =	vld [tilespmem:$0x1FDC0]  }
0x17a: {  	v53 =	vld [tilespmem:$0x1FDD0]  }
0x17b: {  	v49 =	vld [tilespmem:$0x1FE40]  }
0x17c: {  	v63 =	vld [tilespmem:$0x1FDF0]  }
0x17d: {  	v41 =	vadd.f32 v42, v41;
	v42 =	vld [tilespmem:$0x1FE00]  }
0x17e: {  	v33 =	vadd.f32 v50, v0;
	v50 =	vld [tilespmem:$0x1FEB0]  }
0x17f: {  	v60 =	vadd.f32 v53, v52;
	v52 =	vld [tilespmem:$0x1FE60]  }
0x180: {  	v53 =	vld [tilespmem:$0x1FED0]  }
0x181: {  	v35 =	vadd.f32 v55, v56;
	v55 =	vld [tilespmem:$0x1FE80]  }
0x182: {  	v56 =	vld [tilespmem:$0x1FEF0]  }
0x183: {  	v40 =	vadd.f32 v63, v40;
	v63 =	vld [tilespmem:$0x1FEA0];
	v42 =	vadd.f32 v42, v44  }
0x184: {  	v44 =	vadd.f32 v45, v48;
	v45 =	vadd.f32 v49, v50;
	v50 =	vld [tilespmem:$0x1FF10]  }
0x185: {  	v48 =	vadd.f32 v52, v53;
	v52 =	vld [tilespmem:$0x1FEC0]  }
0x186: {  	v53 =	vld [tilespmem:$0x1FF30]  }
0x187: {  	v49 =	vadd.f32 v55, v56;
	v55 =	vld [tilespmem:$0x1FEE0]  }
0x188: {  	v56 =	vld [tilespmem:$0x1FF50]  }
0x189: {  	v57 =	vmov v5;
	v5 =	vld [tilespmem:$0x1FF40];
	_ =	sdelay $0x2  }
0x18a: {  	v50 =	vadd.f32 v63, v50;
	v63 =	vld [tilespmem:$0x1FF00]  }
0x18b: {  	v52 =	vadd.f32 v52, v53;
	v53 =	vadd.f32 v55, v56;
	v55 =	vld [tilespmem:$0x1FF70]  }
0x18c: {  	v43 =	vadd.f32 v5, v43;
	v5 =	vld [tilespmem:$0x1FF80];
	_ =	sdelay $0x2  }
0x18d: {  	v56 =	vld [tilespmem:$0x1FF20]  }
0x18e: {  	v55 =	vadd.f32 v63, v55;
	v63 =	vld [tilespmem:$0x1FF90]  }
0x18f: {  	v25 =	vmul.f32 v25, v9;
	v26 =	vadd.f32 v37, v26;
	v0 =	vadd.f32 v5, v7  }
0x190: {  	v22 =	vmul.f32 v22, v9;
	v5 =	vadd.f32 v54, v13;
	v7 =	vadd.f32 v8, v15  }
0x191: {  	v3 =	vmul.f32 v3, v9;
	v8 =	vld.idx.msk [tilespmem:v39+s16+$0x0], $0xffff;
	v13 =	vadd.f32 v14, v19;
	v14 =	vadd.f32 v16, v20  }
0x192: {  	v37 =	vmul.f32 v30, v9;
	v15 =	vld.idx.msk [tilespmem:v36+s16+$0x0], $0xffff;
	v16 =	vadd.f32 v18, v21;
	v18 =	vadd.f32 v46, v23  }
0x193: {  	v46 =	vmul.f32 v29, v10;
	v21 =	vadd.f32 v47, v28;
	v56 =	vadd.f32 v56, v63;
	v63 =	vld [tilespmem:$0x1FF60]  }
0x194: {  	v20 =	vld.idx.msk [tilespmem:v38+s16+$0x0], $0xffff;
	v54 =	vmul.f32 v31, v9;
	v38 =	vmul.f32 v31, v10;
	v28 =	vsub.f32 $1.000000000e+00, v12  }
0x195: {  	v36 =	vld.idx.msk [tilespmem:v34+s16+$0x0], $0xffff;
	v39 =	vmul.f32 v30, v10;
	v34 =	vmul.f32 v17, v9  }
0x196: {  	v25 =	vadd.f32 v25, v38;
	v38 =	vmul.f32 v26, v12;
	v14 =	vmul.f32 v14, v28  }
0x197: {  	v19 =	vadd.f32 v54, v46;
	v5 =	vmul.f32 v5, v12;
	v0 =	vmul.f32 v0, v11  }
0x198: {  	v1 =	vmul.f32 v1, v28;
	v4 =	vmul.f32 v4, v28;
	v6 =	vadd.f32 v63, v6;
	v63 =	vld [tilespmem:$0x1FFA0]  }
0x199: {  	v22 =	vadd.f32 v22, v39;
	v19 =	vmul.f32 v19, v28;
	v25 =	vmul.f32 v25, v28  }
0x19a: {  	v8 =	vmul.f32 v8, v10;
	v47 =	vmul.f32 v15, v9  }
0x19b: {  	v24 =	vadd.f32 v24, v27;
	v22 =	vmul.f32 v22, v12;
	v20 =	vmul.f32 v20, v10  }
0x19c: {  	v15 =	vmul.f32 v15, v10;
	v54 =	vmul.f32 v36, v10;
	v8 =	vadd.f32 v47, v8  }
0x19d: {  	v39 =	vld [tilespmem:$0x1FFD0];
	v27 =	vmul.f32 v52, v12;
	v2 =	vadd.f32 v63, v2;
	v63 =	vmul.f32 v32, v10  }
0x19e: {  	v3 =	vadd.f32 v3, v15;
	v52 =	vmul.f32 v59, v11;
	v32 =	vmul.f32 v51, v9  }
0x19f: {  	v31 =	vmul.f32 v55, v11;
	v46 =	vadd.f32 v37, v63;
	v63 =	vmul.f32 v36, v9  }
0x1a0: {  	v37 =	vmul.f32 v21, v28;
	v10 =	vadd.f32 v32, v54;
	v54 =	vmul.f32 v16, v12  }
0x1a1: {  	v21 =	vsub.f32 $1.000000000e+00, v11;
	v2 =	vmul.f32 v2, v28;
	v32 =	vmul.f32 v44, v28  }
0x1a2: {  	v9 =	vadd.f32 v34, v39;
	v34 =	vmul.f32 v45, v12;
	v39 =	vmul.f32 v62, v12  }
0x1a3: {  	v44 =	vmul.f32 v40, v12;
	v23 =	vmul.f32 v46, v12  }
0x1a4: {  	v22 =	vadd.f32 v22, v25;
	v8 =	vmul.f32 v8, v21;
	v3 =	vmul.f32 v3, v21  }
0x1a5: {  	v36 =	vadd.f32 v63, v20;
	v46 =	vld [tilespmem:$0x1FFB0];
	v10 =	vmul.f32 v10, v11;
	v47 =	vmul.f32 v24, v21  }
0x1a6: {  	v9 =	vmul.f32 v9, v11;
	v51 =	vadd.f32 v38, v37;
	v20 =	vmul.f32 v7, v21  }
0x1a7: {  	v14 =	vadd.f32 v54, v14;
	v6 =	vmul.f32 v6, v21;
	v30 =	vmul.f32 v53, v21  }
0x1a8: {  	v2 =	vadd.f32 v5, v2;
	v37 =	vmul.f32 v48, v21;
	v17 =	vmul.f32 v36, v11  }
0x1a9: {  	v38 =	vmul.f32 v49, v11;
	v19 =	vadd.f32 v23, v19;
	v3 =	vadd.f32 v10, v3  }
0x1aa: {  	v49 =	vmul.f32 v61, v21;
	v8 =	vadd.f32 v17, v8;
	v26 =	vadd.f32 v57, v46  }
0x1ab: {  	v9 =	vadd.f32 v9, v47;
	v23 =	vmul.f32 v43, v12;
	v3 =	vsub.f32 v22, v3  }
0x1ac: {  	v57 =	vmul.f32 v18, v21;
	v8 =	vsub.f32 v19, v8;
	v63 =	vmul.f32 v26, v11  }
0x1ad: {  	v0 =	vadd.f32 v0, v6;
	v9 =	vsub.f32 v51, v9;
	v22 =	vmul.f32 v13, v11  }
0x1ae: {  	v3 =	vand.u32 $0x7FFFFFFF, v3;
	v8 =	vand.u32 $0x7FFFFFFF, v8;
	v18 =	vadd.f32 v63, v57  }
0x1af: {  	v36 =	vmul.f32 v35, v28;
	v19 =	vmul.f32 v56, v28;
	v3 =	vadd.f32 v3, v8  }
0x1b0: {  	v5 =	vadd.f32 v22, v20;
	v9 =	vand.u32 $0x7FFFFFFF, v9;
	v24 =	vsub.f32 v14, v18  }
0x1b1: {  	v6 =	vadd.f32 v31, v30;
	v26 =	vmul.f32 v50, v28;
	v3 =	vadd.f32 v9, v3  }
0x1b2: {  	v25 =	vadd.f32 v23, v19;
	v2 =	vsub.f32 v2, v5;
	v7 =	vand.u32 $0x7FFFFFFF, v24  }
0x1b3: {  	v43 =	vmul.f32 v33, v12;
	v45 =	vadd.f32 v38, v37;
	v3 =	vadd.f32 v7, v3  }
0x1b4: {  	v29 =	vadd.f32 v27, v26;
	v0 =	vsub.f32 v25, v0;
	v2 =	vand.u32 $0x7FFFFFFF, v2  }
0x1b5: {  	v47 =	vmul.f32 v42, v11;
	v46 =	vmul.f32 v41, v21;
	v2 =	vadd.f32 v2, v3  }
0x1b6: {  	v5 =	vsub.f32 v29, v6;
	v0 =	vand.u32 $0x7FFFFFFF, v0;
	v7 =	vadd.f32 v34, v32  }
0x1b7: {  	v48 =	vadd.f32 v44, v36;
	v50 =	vmul.f32 v60, v21;
	v57 =	vld [tilespmem:$0x1FFC0];
	v0 =	vadd.f32 v0, v2  }
0x1b8: {  	v51 =	vadd.f32 v47, v46;
	v5 =	vand.u32 $0x7FFFFFFF, v5;
	v3 =	vsub.f32 v7, v45  }
0x1b9: {  	v53 =	vmul.f32 v58, v11;
	v4 =	vadd.f32 v43, v4;
	v0 =	vadd.f32 v5, v0  }
0x1ba: {  	v54 =	vadd.f32 v52, v50;
	v2 =	vsub.f32 v48, v51;
	v3 =	vand.u32 $0x7FFFFFFF, v3  }
0x1bb: {  	v1 =	vadd.f32 v39, v1;
	v0 =	vadd.f32 v3, v0  }
0x1bc: {  	v55 =	vadd.f32 v53, v49;
	v4 =	vsub.f32 v4, v54;
	v2 =	vand.u32 $0x7FFFFFFF, v2  }
0x1bd: {  	v0 =	vadd.f32 v2, v0  }
0x1be: {  	v1 =	vsub.f32 v1, v55;
	v56 =	vand.u32 $0x7FFFFFFF, v4  }
0x1bf: {  	v2 =	vld.idx.msk [tilespmem:v57+s24+$0x0], $0xffff;
	v0 =	vadd.f32 v56, v0  }
0x1c0: {  	v1 =	vand.u32 $0x7FFFFFFF, v1  }
0x1c1: {  	v58 =	vld [tilespmem:$0x1FD80];
	v0 =	vadd.f32 v1, v0;
	_ =	sdelay $0x1  }
0x1c2: {  	v0 =	vnsel vm1, $0x0, v0  }
0x1c3: {  	v0 =	vmul.f32 v0, v2;
	_ =	sdelay $0x1  }
0x1c4: {  	v0 =	vadd.f32 v0, v58;
	_ =	sdelay $0x1  }
0x1c5: {  	(xrf2) =	vadd.scan.msk.f32 $0xffff, v0;
	_ =	sdelay $0x5  }
0x1c6: {  	v59 =	vld [tilespmem:$0x1FD50]  }
0x1c7: {  	v60 =	vld [tilespmem:$0x1FD60];
	_ =	sdelay $0x1  }
0x1c8: {  	v61 =	vld [tilespmem:$0x1FD70]  }
0x1c9: {  	v0, _, _ =	vpop (xrf2)  }
0x1ca: {  	v62 =	vld [tilespmem:$0x1FD90];
	(v2sf) =	vpush v0, $0xF  }
0x1cb: {  	v1 =	vadd.f32 v60, v59;
	_ =	sdelay $0x1  }
0x1cc: {  	v0 =	vadd.f32 v61, v1;
	_ =	sdelay $0x1  }
0x1cd: {  	v0 =	vadd.f32 v62, v0;
	_ =	sdelay $0x1  }
0x1ce: {  	(xrf2) =	vadd.scan.msk.f32 $0xffff, v0;
	_ =	sdelay $0x7  }
0x1cf: {  	s28 =	spop (v2sf)  }
0x1d0: {  	s28 =	smul.f32 $8.264462460e-03, s28  }
0x1d1: {  	v0, _, _ =	vpop (xrf2)  }
0x1d2: {  	vm2 =	vcmask $0x300;
	v0 =	vbroadcast v0, $0xF;
	v63 =	vmov s28  }
0x1d3: {  	v1 =	vnsel vm2, $0x0, v63;
	vm2 =	vcmask $0x704  }
0x1d4: {  	v0 =	vnsel vm2, $0x0, v0  }
0x1d5: {  	s26 =	sadd.s32 $0x1, s26;
	v0 =	vadd.f32 v1, v0  }
0x1d6: {  	p0 =	sne.s32 s26, s10  }
.Ltmp1:
0x1d7: {  	[tilespmem:$0x780] =	vst v0;
	(pc) =	sbr.rel @p0 .LBB2_1-.Ltmp1, $4  }
0x1d8: {  	[hbm4b:s9+s2] =	stream.linear.scatter [tilespmem:s25], [sflag:$0x2], $0x10, $0x38;
	[tilespmem:$0x790] =	vst v63  }
0x1d9: {  	_ =	swait.ge [sflag:s11], $0x10  }
0x1da: {  	[sflag:s11] =	ssyncset.done $0x0  }
0x1db: {  	[sflag:s11] =	ssyncadd.s32 $0xFFFFFFF0  }
0x1dc: {  	_ =	sfence.sel $0x180000  }
0x1dd: {  	[bflag:$0x0] =	sbarrier.arrive $0xFFFF  }
0x1de: {  	p0 =	sne.s32 s1, $0x0;
	_ =	strace $0x90000047  }
0x1df: {  	s0 =	sadd.s32 @!p0 $0x100000, s0;
	[bflag:$0x2] =	sbarrier.arrive $0xFFFF  }
0x1e0: {  	[sflag:s0] =	ssyncadd.tile.s32 @!p0 $0x1;
	_ =	shalt  }
.Lfunc_end2:
_tile_overlayer_lowered:
.L_overlay_start_2:
0x1e1: {  	(tag) =	ssettag $0x2  }
0x1e2: {  	s0 =	rddreg [dreg:$0x0];
	s2 =	stileid.u32  }
0x1e3: {  	s1 =	rddreg [dreg:$0x1];
	p0 =	sne.s32 s2, $0x0  }
0x1e4: {  	s3 =	rddreg [dreg:$0x2];
	[bflag:$0x3] =	sbarrier.arrive $0xFFFF;
	s2 =	simm.s32 @!p0 $0x1C02  }
0x1e5: {  	[timem:s3], [sflag:s2] =	dma.local @!p0 [hbm:s0], s1  }
0x1e6: {  	s0 =	simm.s32 @!p0 $0x2  }
0x1e7: {  	_ =	swait.ge @!p0 [sflag:s0], s1  }
0x1e8: {  	s1 =	ssub.s32 @!p0 $0x0, s1;
	[sflag:s0] =	ssyncset.done @!p0 $0x0  }
0x1e9: {  	[sflag:s0] =	ssyncadd.s32 @!p0 s1  }
0x1ea: {  	[bflag:$0x3] =	sbarrier.arrive $0xFFFF  }
0x1eb: {  	_ =	shalt  }

</sc_bundles>
